<compile_context>
chip_gen: v7x
topology: tpu7x:2x2x1
jax: 0.10.2.dev20260603
libtpu: 0.0.44.dev20260713+nightly
codegen_flags: <defaults>
</compile_context>

<pallas_src>
import jax
import jax.numpy as jnp
from jax import lax
from jax.experimental import pallas as pl
from jax.experimental.pallas import tpu as pltpu
from jax.experimental.pallas import tpu_sc as plsc

B = 4096
DIN = 8192
DOUT = 2048
NC, NS, LANES = 2, 16, 16
HIN = DIN // NC
HOUT = DOUT // NC
R = 8
NBUF = 2
G = B // (NS * R)
CHUNKS = HOUT // LANES
NSTR = 4
HW = HIN // NSTR


def _body(x_hbm, cidx_hbm, out_hbm, idx_v, in0_v, in1_v, out0_v, out1_v,
          s00, s01, s02, s03, s10, s11, s12, s13, out_sem0, out_sem1):
    in_bufs = (in0_v, in1_v)
    out_bufs = (out0_v, out1_v)
    in_sems = ((s00, s01, s02, s03), (s10, s11, s12, s13))
    out_sems = (out_sem0, out_sem1)
    h = lax.axis_index("c")
    s = lax.axis_index("s")
    row0 = s * (G * R)

    pltpu.sync_copy(cidx_hbm.at[h], idx_v)

    def start_in(block, b):
        rs = pl.ds(row0 + block * R, R)
        for k in range(NSTR):
            pltpu.async_copy(x_hbm.at[rs, pl.ds(h * HIN + k * HW, HW)],
                             in_bufs[b].at[:, pl.ds(k * HW, HW)],
                             in_sems[b][k])

    def wait_in(b):
        for k in range(NSTR):
            pltpu.make_async_copy(x_hbm.at[pl.ds(0, R), pl.ds(0, HW)],
                                  in_bufs[b].at[:, pl.ds(0, HW)],
                                  in_sems[b][k]).wait()

    def start_out(block, b):
        pltpu.async_copy(
            out_bufs[b],
            out_hbm.at[pl.ds(row0 + block * R, R), pl.ds(h * HOUT, HOUT)],
            out_sems[b])

    def wait_out(b):
        pltpu.make_async_copy(
            out_bufs[b], out_hbm.at[pl.ds(0, R), pl.ds(0, HOUT)],
            out_sems[b]).wait()

    for b in range(NBUF):
        start_in(b, b)

    @pl.loop(0, G, step=NBUF)
    def _outer(g):
        for b in range(NBUF):
            i = g + b
            wait_in(b)

            @pl.when(i >= NBUF)
            def _():
                wait_out(b)

            @plsc.parallel_loop(0, CHUNKS, unroll=4)
            def _inner(o):
                iv = idx_v[pl.ds(o * LANES, LANES)]
                for r in range(R):
                    rv = jnp.full((LANES,), r, jnp.int32)
                    vals = plsc.load_gather(in_bufs[b], [rv, iv])
                    out_bufs[b][r, pl.ds(o * LANES, LANES)] = vals

            start_out(i, b)

            @pl.when(i + NBUF < G)
            def _():
                start_in(i + NBUF, b)

    for b in range(NBUF):
        wait_out(b)


def kernel(x, weight):
    cidx = (jnp.arange(DIN // 128, dtype=jnp.int32)[:, None] * 128
            + weight.astype(jnp.int32)[None, :]).reshape(-1)
    cidx = jnp.clip(cidx, 0, DIN - 1)
    halves = []
    for hh in range(NC):
        lo, hi = hh * HIN, (hh + 1) * HIN - 1
        halves.append(jnp.clip(cidx[hh * HOUT:(hh + 1) * HOUT], lo, hi) - lo)
    cidx2 = jnp.stack(halves)

    mesh = plsc.VectorSubcoreMesh(core_axis_name="c", subcore_axis_name="s")
    f = pl.kernel(
        _body,
        out_type=jax.ShapeDtypeStruct((B, DOUT), jnp.float32),
        mesh=mesh,
        compiler_params=pltpu.CompilerParams(needs_layout_passes=False),
        scratch_types=[
            pltpu.VMEM((HOUT,), jnp.int32),
            pltpu.VMEM((R, HIN), jnp.float32),
            pltpu.VMEM((R, HIN), jnp.float32),
            pltpu.VMEM((R, HOUT), jnp.float32),
            pltpu.VMEM((R, HOUT), jnp.float32),
            pltpu.SemaphoreType.DMA,
            pltpu.SemaphoreType.DMA,
            pltpu.SemaphoreType.DMA,
            pltpu.SemaphoreType.DMA,
            pltpu.SemaphoreType.DMA,
            pltpu.SemaphoreType.DMA,
            pltpu.SemaphoreType.DMA,
            pltpu.SemaphoreType.DMA,
            pltpu.SemaphoreType.DMA,
            pltpu.SemaphoreType.DMA,
        ],
    )
    return f(x, cidx2)

# --- scband reference (transcript-rebuilt; emitter-appended) ---
"""Pipeline reference for scband-hard-sampling-layer-5360119186055 (READ-ONLY COPY).

The authoritative reference and input builder live on the scoring server;
editing this copy changes nothing except your own understanding.
"""

import jax, jax.numpy as jnp
import numpy as np

DENSE_SAMPLING_L = 128
NUM_OF_ADC_P = 64
NUM_SAMPLES_L_TILDE = 32

def setup_inputs(seed: int = 0) -> dict:
    key = jax.random.key(seed)
    x = jax.random.normal(key, (4096, NUM_OF_ADC_P * DENSE_SAMPLING_L), dtype=jnp.float32)
    # rounded/clamped sample-index weights (constructor arg), values in [1, DENSE_SAMPLING_L-1]
    w = np.array([3, 7, 12, 18, 22, 27, 33, 38, 44, 49, 55, 60, 66, 71, 77, 82,
                  88, 93, 99, 104, 108, 112, 115, 118, 120, 121, 122, 123, 124, 125, 126, 127],
                 dtype=np.int64)
    w = np.round(w).astype(np.int64)
    w[w < 1] = 1
    w[w > DENSE_SAMPLING_L] = DENSE_SAMPLING_L - 1
    weight = jnp.asarray(w, dtype=jnp.int32)
    return {"x": x, "weight": weight}

def reference(x, weight):
    # out[:, i*L_tilde + j] = x[:, i*dense_L + weight[j]]
    # vectorized column gather over all (i, j) pairs
    col_idx = (jnp.arange(NUM_OF_ADC_P, dtype=jnp.int32)[:, None] * DENSE_SAMPLING_L
               + weight[None, :]).reshape(-1)  # [P * L_tilde]
    out = jnp.take(x, col_idx, axis=1)  # [B, P * L_tilde]
    return out

if __name__ == "__main__":
    import jax
    _d = setup_inputs()
    print(jax.jit(kernel)(*tuple(_d.values())))

</pallas_src>

<mosaic_0001>
#map = affine_map<(d0, d1) -> (0, 0)>
module attributes {stable_mosaic.version = 14 : i64} {
  func.func @_body(%arg0: i32, %arg1: i32, %arg2: memref<4096x8192xf32, #tpu.memory_space<hbm>>, %arg3: memref<2x1024xi32, #tpu.memory_space<hbm>>, %arg4: memref<4096x2048xf32, #tpu.memory_space<hbm>>, %arg5: memref<1024xi32, #tpu.memory_space<vmem>>, %arg6: memref<8x4096xf32, #tpu.memory_space<vmem>>, %arg7: memref<8x4096xf32, #tpu.memory_space<vmem>>, %arg8: memref<8x1024xf32, #tpu.memory_space<vmem>>, %arg9: memref<8x1024xf32, #tpu.memory_space<vmem>>, %arg10: memref<!tpu.dma_semaphore, #tpu.memory_space<semaphore_mem>>, %arg11: memref<!tpu.dma_semaphore, #tpu.memory_space<semaphore_mem>>, %arg12: memref<!tpu.dma_semaphore, #tpu.memory_space<semaphore_mem>>, %arg13: memref<!tpu.dma_semaphore, #tpu.memory_space<semaphore_mem>>, %arg14: memref<!tpu.dma_semaphore, #tpu.memory_space<semaphore_mem>>, %arg15: memref<!tpu.dma_semaphore, #tpu.memory_space<semaphore_mem>>, %arg16: memref<!tpu.dma_semaphore, #tpu.memory_space<semaphore_mem>>, %arg17: memref<!tpu.dma_semaphore, #tpu.memory_space<semaphore_mem>>, %arg18: memref<!tpu.dma_semaphore, #tpu.memory_space<semaphore_mem>>, %arg19: memref<!tpu.dma_semaphore, #tpu.memory_space<semaphore_mem>>) attributes {dimension_semantics = [#tpu.dimension_semantics<core_parallel>, #tpu.dimension_semantics<subcore_parallel>], iteration_bounds = array<i64: 2, 16>, scalar_prefetch = 0 : i64, scratch_operands = 15 : i64, tpu.core_type = #tpu.core_type<sc_vector_subcore>, window_params = [{transform_indices = #map}, {transform_indices = #map}, {transform_indices = #map}]} {
    %mul3A = arith.constant 256 : i32
    %mul3A_0 = arith.muli %arg1, %mul3A : i32
    "tpu.region"() ({
      %run_scoped3A = tpu.sem_alloc : memref<!tpu.dma_semaphore, #tpu.memory_space<semaphore_mem>>
      %dma_start3A_114 = arith.constant 0 : i32
      %dma_start3A_115 = tpu.memref_slice %arg3[%arg0, %dma_start3A_114] : memref<2x1024xi32, #tpu.memory_space<hbm>> -> memref<1x1024xi32, #tpu.memory_space<hbm>>
      %dma_start3A_116 = tpu.memref_squeeze %dma_start3A_115 : memref<1x1024xi32, #tpu.memory_space<hbm>> -> memref<1024xi32, #tpu.memory_space<hbm>>
      %dma_start3A_117 = arith.constant 0 : i32
      %dma_start3A_118 = tpu.memref_slice %arg3[%arg0, %dma_start3A_117] : memref<2x1024xi32, #tpu.memory_space<hbm>> -> memref<1x1024xi32, #tpu.memory_space<hbm>>
      %dma_start3A_119 = tpu.memref_squeeze %dma_start3A_118 : memref<1x1024xi32, #tpu.memory_space<hbm>> -> memref<1024xi32, #tpu.memory_space<hbm>>
      tpu.enqueue_dma source(%dma_start3A_119 : memref<1024xi32, #tpu.memory_space<hbm>>) target(%arg5 : memref<1024xi32, #tpu.memory_space<vmem>>) target_semaphore(%run_scoped3A : memref<!tpu.dma_semaphore, #tpu.memory_space<semaphore_mem>>)
      %dma_wait3A_120 = arith.constant 0 : i32
      %dma_wait3A_121 = tpu.memref_slice %arg3[%arg0, %dma_wait3A_120] : memref<2x1024xi32, #tpu.memory_space<hbm>> -> memref<1x1024xi32, #tpu.memory_space<hbm>>
      %dma_wait3A_122 = tpu.memref_squeeze %dma_wait3A_121 : memref<1x1024xi32, #tpu.memory_space<hbm>> -> memref<1024xi32, #tpu.memory_space<hbm>>
      %dma_wait3A_123 = arith.constant 0 : i32
      %dma_wait3A_124 = tpu.memref_slice %arg3[%arg0, %dma_wait3A_123] : memref<2x1024xi32, #tpu.memory_space<hbm>> -> memref<1x1024xi32, #tpu.memory_space<hbm>>
      %dma_wait3A_125 = tpu.memref_squeeze %dma_wait3A_124 : memref<1x1024xi32, #tpu.memory_space<hbm>> -> memref<1024xi32, #tpu.memory_space<hbm>>
      tpu.wait_dma2 semaphore(%run_scoped3A : memref<!tpu.dma_semaphore, #tpu.memory_space<semaphore_mem>>) src(%dma_wait3A_125 : memref<1024xi32, #tpu.memory_space<hbm>>) dst(%arg5 : memref<1024xi32, #tpu.memory_space<vmem>>)
      tpu.yield
    }) : () -> ()
    %add3A = arith.constant 0 : i32
    %add3A_1 = arith.addi %mul3A_0, %add3A : i32
    %mul3A_2 = arith.constant 4096 : i32
    %mul3A_3 = arith.muli %arg0, %mul3A_2 : i32
    %add3A_4 = arith.constant 0 : i32
    %add3A_5 = arith.addi %mul3A_3, %add3A_4 : i32
    %dma_start3A = arith.constant 0 : i32
    %dma_start3A_6 = arith.constant 0 : i32
    %dma_start3A_7 = tpu.memref_slice %arg6[%dma_start3A, %dma_start3A_6] : memref<8x4096xf32, #tpu.memory_space<vmem>> -> memref<8x1024xf32, #tpu.memory_space<vmem>>
    %dma_start3A_8 = tpu.memref_slice %arg2[%add3A_1, %add3A_5] : memref<4096x8192xf32, #tpu.memory_space<hbm>> -> memref<8x1024xf32, #tpu.memory_space<hbm>>
    %dma_start3A_9 = arith.constant 0 : i32
    %dma_start3A_10 = arith.constant 0 : i32
    %dma_start3A_11 = tpu.memref_slice %arg6[%dma_start3A_9, %dma_start3A_10] : memref<8x4096xf32, #tpu.memory_space<vmem>> -> memref<8x1024xf32, #tpu.memory_space<vmem>>
    %dma_start3A_12 = tpu.memref_slice %arg2[%add3A_1, %add3A_5] : memref<4096x8192xf32, #tpu.memory_space<hbm>> -> memref<8x1024xf32, #tpu.memory_space<hbm>>
    tpu.enqueue_dma source(%dma_start3A_12 : memref<8x1024xf32, #tpu.memory_space<hbm>>) target(%dma_start3A_11 : memref<8x1024xf32, #tpu.memory_space<vmem>>) target_semaphore(%arg10 : memref<!tpu.dma_semaphore, #tpu.memory_space<semaphore_mem>>)
    %mul3A_13 = arith.constant 4096 : i32
    %mul3A_14 = arith.muli %arg0, %mul3A_13 : i32
    %add3A_15 = arith.constant 1024 : i32
    %add3A_16 = arith.addi %mul3A_14, %add3A_15 : i32
    %dma_start3A_17 = arith.constant 0 : i32
    %dma_start3A_18 = arith.constant 1024 : i32
    %dma_start3A_19 = tpu.memref_slice %arg6[%dma_start3A_17, %dma_start3A_18] : memref<8x4096xf32, #tpu.memory_space<vmem>> -> memref<8x1024xf32, #tpu.memory_space<vmem>>
    %dma_start3A_20 = tpu.memref_slice %arg2[%add3A_1, %add3A_16] : memref<4096x8192xf32, #tpu.memory_space<hbm>> -> memref<8x1024xf32, #tpu.memory_space<hbm>>
    %dma_start3A_21 = arith.constant 0 : i32
    %dma_start3A_22 = arith.constant 1024 : i32
    %dma_start3A_23 = tpu.memref_slice %arg6[%dma_start3A_21, %dma_start3A_22] : memref<8x4096xf32, #tpu.memory_space<vmem>> -> memref<8x1024xf32, #tpu.memory_space<vmem>>
    %dma_start3A_24 = tpu.memref_slice %arg2[%add3A_1, %add3A_16] : memref<4096x8192xf32, #tpu.memory_space<hbm>> -> memref<8x1024xf32, #tpu.memory_space<hbm>>
    tpu.enqueue_dma source(%dma_start3A_24 : memref<8x1024xf32, #tpu.memory_space<hbm>>) target(%dma_start3A_23 : memref<8x1024xf32, #tpu.memory_space<vmem>>) target_semaphore(%arg11 : memref<!tpu.dma_semaphore, #tpu.memory_space<semaphore_mem>>)
    %mul3A_25 = arith.constant 4096 : i32
    %mul3A_26 = arith.muli %arg0, %mul3A_25 : i32
    %add3A_27 = arith.constant 2048 : i32
    %add3A_28 = arith.addi %mul3A_26, %add3A_27 : i32
    %dma_start3A_29 = arith.constant 0 : i32
    %dma_start3A_30 = arith.constant 2048 : i32
    %dma_start3A_31 = tpu.memref_slice %arg6[%dma_start3A_29, %dma_start3A_30] : memref<8x4096xf32, #tpu.memory_space<vmem>> -> memref<8x1024xf32, #tpu.memory_space<vmem>>
    %dma_start3A_32 = tpu.memref_slice %arg2[%add3A_1, %add3A_28] : memref<4096x8192xf32, #tpu.memory_space<hbm>> -> memref<8x1024xf32, #tpu.memory_space<hbm>>
    %dma_start3A_33 = arith.constant 0 : i32
    %dma_start3A_34 = arith.constant 2048 : i32
    %dma_start3A_35 = tpu.memref_slice %arg6[%dma_start3A_33, %dma_start3A_34] : memref<8x4096xf32, #tpu.memory_space<vmem>> -> memref<8x1024xf32, #tpu.memory_space<vmem>>
    %dma_start3A_36 = tpu.memref_slice %arg2[%add3A_1, %add3A_28] : memref<4096x8192xf32, #tpu.memory_space<hbm>> -> memref<8x1024xf32, #tpu.memory_space<hbm>>
    tpu.enqueue_dma source(%dma_start3A_36 : memref<8x1024xf32, #tpu.memory_space<hbm>>) target(%dma_start3A_35 : memref<8x1024xf32, #tpu.memory_space<vmem>>) target_semaphore(%arg12 : memref<!tpu.dma_semaphore, #tpu.memory_space<semaphore_mem>>)
    %mul3A_37 = arith.constant 4096 : i32
    %mul3A_38 = arith.muli %arg0, %mul3A_37 : i32
    %add3A_39 = arith.constant 3072 : i32
    %add3A_40 = arith.addi %mul3A_38, %add3A_39 : i32
    %dma_start3A_41 = arith.constant 0 : i32
    %dma_start3A_42 = arith.constant 3072 : i32
    %dma_start3A_43 = tpu.memref_slice %arg6[%dma_start3A_41, %dma_start3A_42] : memref<8x4096xf32, #tpu.memory_space<vmem>> -> memref<8x1024xf32, #tpu.memory_space<vmem>>
    %dma_start3A_44 = tpu.memref_slice %arg2[%add3A_1, %add3A_40] : memref<4096x8192xf32, #tpu.memory_space<hbm>> -> memref<8x1024xf32, #tpu.memory_space<hbm>>
    %dma_start3A_45 = arith.constant 0 : i32
    %dma_start3A_46 = arith.constant 3072 : i32
    %dma_start3A_47 = tpu.memref_slice %arg6[%dma_start3A_45, %dma_start3A_46] : memref<8x4096xf32, #tpu.memory_space<vmem>> -> memref<8x1024xf32, #tpu.memory_space<vmem>>
    %dma_start3A_48 = tpu.memref_slice %arg2[%add3A_1, %add3A_40] : memref<4096x8192xf32, #tpu.memory_space<hbm>> -> memref<8x1024xf32, #tpu.memory_space<hbm>>
    tpu.enqueue_dma source(%dma_start3A_48 : memref<8x1024xf32, #tpu.memory_space<hbm>>) target(%dma_start3A_47 : memref<8x1024xf32, #tpu.memory_space<vmem>>) target_semaphore(%arg13 : memref<!tpu.dma_semaphore, #tpu.memory_space<semaphore_mem>>)
    %add3A_49 = arith.constant 8 : i32
    %add3A_50 = arith.addi %mul3A_0, %add3A_49 : i32
    %mul3A_51 = arith.constant 4096 : i32
    %mul3A_52 = arith.muli %arg0, %mul3A_51 : i32
    %add3A_53 = arith.constant 0 : i32
    %add3A_54 = arith.addi %mul3A_52, %add3A_53 : i32
    %dma_start3A_55 = arith.constant 0 : i32
    %dma_start3A_56 = arith.constant 0 : i32
    %dma_start3A_57 = tpu.memref_slice %arg7[%dma_start3A_55, %dma_start3A_56] : memref<8x4096xf32, #tpu.memory_space<vmem>> -> memref<8x1024xf32, #tpu.memory_space<vmem>>
    %dma_start3A_58 = tpu.memref_slice %arg2[%add3A_50, %add3A_54] : memref<4096x8192xf32, #tpu.memory_space<hbm>> -> memref<8x1024xf32, #tpu.memory_space<hbm>>
    %dma_start3A_59 = arith.constant 0 : i32
    %dma_start3A_60 = arith.constant 0 : i32
    %dma_start3A_61 = tpu.memref_slice %arg7[%dma_start3A_59, %dma_start3A_60] : memref<8x4096xf32, #tpu.memory_space<vmem>> -> memref<8x1024xf32, #tpu.memory_space<vmem>>
    %dma_start3A_62 = tpu.memref_slice %arg2[%add3A_50, %add3A_54] : memref<4096x8192xf32, #tpu.memory_space<hbm>> -> memref<8x1024xf32, #tpu.memory_space<hbm>>
    tpu.enqueue_dma source(%dma_start3A_62 : memref<8x1024xf32, #tpu.memory_space<hbm>>) target(%dma_start3A_61 : memref<8x1024xf32, #tpu.memory_space<vmem>>) target_semaphore(%arg14 : memref<!tpu.dma_semaphore, #tpu.memory_space<semaphore_mem>>)
    %mul3A_63 = arith.constant 4096 : i32
    %mul3A_64 = arith.muli %arg0, %mul3A_63 : i32
    %add3A_65 = arith.constant 1024 : i32
    %add3A_66 = arith.addi %mul3A_64, %add3A_65 : i32
    %dma_start3A_67 = arith.constant 0 : i32
    %dma_start3A_68 = arith.constant 1024 : i32
    %dma_start3A_69 = tpu.memref_slice %arg7[%dma_start3A_67, %dma_start3A_68] : memref<8x4096xf32, #tpu.memory_space<vmem>> -> memref<8x1024xf32, #tpu.memory_space<vmem>>
    %dma_start3A_70 = tpu.memref_slice %arg2[%add3A_50, %add3A_66] : memref<4096x8192xf32, #tpu.memory_space<hbm>> -> memref<8x1024xf32, #tpu.memory_space<hbm>>
    %dma_start3A_71 = arith.constant 0 : i32
    %dma_start3A_72 = arith.constant 1024 : i32
    %dma_start3A_73 = tpu.memref_slice %arg7[%dma_start3A_71, %dma_start3A_72] : memref<8x4096xf32, #tpu.memory_space<vmem>> -> memref<8x1024xf32, #tpu.memory_space<vmem>>
    %dma_start3A_74 = tpu.memref_slice %arg2[%add3A_50, %add3A_66] : memref<4096x8192xf32, #tpu.memory_space<hbm>> -> memref<8x1024xf32, #tpu.memory_space<hbm>>
    tpu.enqueue_dma source(%dma_start3A_74 : memref<8x1024xf32, #tpu.memory_space<hbm>>) target(%dma_start3A_73 : memref<8x1024xf32, #tpu.memory_space<vmem>>) target_semaphore(%arg15 : memref<!tpu.dma_semaphore, #tpu.memory_space<semaphore_mem>>)
    %mul3A_75 = arith.constant 4096 : i32
    %mul3A_76 = arith.muli %arg0, %mul3A_75 : i32
    %add3A_77 = arith.constant 2048 : i32
    %add3A_78 = arith.addi %mul3A_76, %add3A_77 : i32
    %dma_start3A_79 = arith.constant 0 : i32
    %dma_start3A_80 = arith.constant 2048 : i32
    %dma_start3A_81 = tpu.memref_slice %arg7[%dma_start3A_79, %dma_start3A_80] : memref<8x4096xf32, #tpu.memory_space<vmem>> -> memref<8x1024xf32, #tpu.memory_space<vmem>>
    %dma_start3A_82 = tpu.memref_slice %arg2[%add3A_50, %add3A_78] : memref<4096x8192xf32, #tpu.memory_space<hbm>> -> memref<8x1024xf32, #tpu.memory_space<hbm>>
    %dma_start3A_83 = arith.constant 0 : i32
    %dma_start3A_84 = arith.constant 2048 : i32
    %dma_start3A_85 = tpu.memref_slice %arg7[%dma_start3A_83, %dma_start3A_84] : memref<8x4096xf32, #tpu.memory_space<vmem>> -> memref<8x1024xf32, #tpu.memory_space<vmem>>
    %dma_start3A_86 = tpu.memref_slice %arg2[%add3A_50, %add3A_78] : memref<4096x8192xf32, #tpu.memory_space<hbm>> -> memref<8x1024xf32, #tpu.memory_space<hbm>>
    tpu.enqueue_dma source(%dma_start3A_86 : memref<8x1024xf32, #tpu.memory_space<hbm>>) target(%dma_start3A_85 : memref<8x1024xf32, #tpu.memory_space<vmem>>) target_semaphore(%arg16 : memref<!tpu.dma_semaphore, #tpu.memory_space<semaphore_mem>>)
    %mul3A_87 = arith.constant 4096 : i32
    %mul3A_88 = arith.muli %arg0, %mul3A_87 : i32
    %add3A_89 = arith.constant 3072 : i32
    %add3A_90 = arith.addi %mul3A_88, %add3A_89 : i32
    %dma_start3A_91 = arith.constant 0 : i32
    %dma_start3A_92 = arith.constant 3072 : i32
    %dma_start3A_93 = tpu.memref_slice %arg7[%dma_start3A_91, %dma_start3A_92] : memref<8x4096xf32, #tpu.memory_space<vmem>> -> memref<8x1024xf32, #tpu.memory_space<vmem>>
    %dma_start3A_94 = tpu.memref_slice %arg2[%add3A_50, %add3A_90] : memref<4096x8192xf32, #tpu.memory_space<hbm>> -> memref<8x1024xf32, #tpu.memory_space<hbm>>
    %dma_start3A_95 = arith.constant 0 : i32
    %dma_start3A_96 = arith.constant 3072 : i32
    %dma_start3A_97 = tpu.memref_slice %arg7[%dma_start3A_95, %dma_start3A_96] : memref<8x4096xf32, #tpu.memory_space<vmem>> -> memref<8x1024xf32, #tpu.memory_space<vmem>>
    %dma_start3A_98 = tpu.memref_slice %arg2[%add3A_50, %add3A_90] : memref<4096x8192xf32, #tpu.memory_space<hbm>> -> memref<8x1024xf32, #tpu.memory_space<hbm>>
    tpu.enqueue_dma source(%dma_start3A_98 : memref<8x1024xf32, #tpu.memory_space<hbm>>) target(%dma_start3A_97 : memref<8x1024xf32, #tpu.memory_space<vmem>>) target_semaphore(%arg17 : memref<!tpu.dma_semaphore, #tpu.memory_space<semaphore_mem>>)
    %scan3A = arith.constant 0 : i32
    %scan3A_99 = arith.constant 16 : i32
    %scan3A_100 = arith.addi %scan3A, %scan3A_99 : i32
    %scan3A_101 = arith.constant 1 : i32
    scf.for %scan3A_114 = %scan3A to %scan3A_100 step %scan3A_101  : i32 {
      %mul3A_115 = arith.constant 2 : i32
      %mul3A_116 = arith.muli %scan3A_114, %mul3A_115 : i32
      %add3A_117 = arith.constant 0 : i32
      %add3A_118 = arith.addi %add3A_117, %mul3A_116 : i32
      %add3A_119 = arith.constant 0 : i32
      %add3A_120 = arith.addi %add3A_118, %add3A_119 : i32
      %dma_wait3A_121 = arith.constant 0 : i32
      %dma_wait3A_122 = arith.constant 0 : i32
      %dma_wait3A_123 = tpu.memref_slice %arg6[%dma_wait3A_121, %dma_wait3A_122] : memref<8x4096xf32, #tpu.memory_space<vmem>> -> memref<8x1024xf32, #tpu.memory_space<vmem>>
      %dma_wait3A_124 = arith.constant 0 : i32
      %dma_wait3A_125 = arith.constant 0 : i32
      %dma_wait3A_126 = tpu.memref_slice %arg2[%dma_wait3A_124, %dma_wait3A_125] : memref<4096x8192xf32, #tpu.memory_space<hbm>> -> memref<8x1024xf32, #tpu.memory_space<hbm>>
      %dma_wait3A_127 = arith.constant 0 : i32
      %dma_wait3A_128 = arith.constant 0 : i32
      %dma_wait3A_129 = tpu.memref_slice %arg6[%dma_wait3A_127, %dma_wait3A_128] : memref<8x4096xf32, #tpu.memory_space<vmem>> -> memref<8x1024xf32, #tpu.memory_space<vmem>>
      %dma_wait3A_130 = arith.constant 0 : i32
      %dma_wait3A_131 = arith.constant 0 : i32
      %dma_wait3A_132 = tpu.memref_slice %arg2[%dma_wait3A_130, %dma_wait3A_131] : memref<4096x8192xf32, #tpu.memory_space<hbm>> -> memref<8x1024xf32, #tpu.memory_space<hbm>>
      tpu.wait_dma2 semaphore(%arg10 : memref<!tpu.dma_semaphore, #tpu.memory_space<semaphore_mem>>) src(%dma_wait3A_132 : memref<8x1024xf32, #tpu.memory_space<hbm>>) dst(%dma_wait3A_129 : memref<8x1024xf32, #tpu.memory_space<vmem>>)
      %dma_wait3A_133 = arith.constant 0 : i32
      %dma_wait3A_134 = arith.constant 0 : i32
      %dma_wait3A_135 = tpu.memref_slice %arg6[%dma_wait3A_133, %dma_wait3A_134] : memref<8x4096xf32, #tpu.memory_space<vmem>> -> memref<8x1024xf32, #tpu.memory_space<vmem>>
      %dma_wait3A_136 = arith.constant 0 : i32
      %dma_wait3A_137 = arith.constant 0 : i32
      %dma_wait3A_138 = tpu.memref_slice %arg2[%dma_wait3A_136, %dma_wait3A_137] : memref<4096x8192xf32, #tpu.memory_space<hbm>> -> memref<8x1024xf32, #tpu.memory_space<hbm>>
      %dma_wait3A_139 = arith.constant 0 : i32
      %dma_wait3A_140 = arith.constant 0 : i32
      %dma_wait3A_141 = tpu.memref_slice %arg6[%dma_wait3A_139, %dma_wait3A_140] : memref<8x4096xf32, #tpu.memory_space<vmem>> -> memref<8x1024xf32, #tpu.memory_space<vmem>>
      %dma_wait3A_142 = arith.constant 0 : i32
      %dma_wait3A_143 = arith.constant 0 : i32
      %dma_wait3A_144 = tpu.memref_slice %arg2[%dma_wait3A_142, %dma_wait3A_143] : memref<4096x8192xf32, #tpu.memory_space<hbm>> -> memref<8x1024xf32, #tpu.memory_space<hbm>>
      tpu.wait_dma2 semaphore(%arg11 : memref<!tpu.dma_semaphore, #tpu.memory_space<semaphore_mem>>) src(%dma_wait3A_144 : memref<8x1024xf32, #tpu.memory_space<hbm>>) dst(%dma_wait3A_141 : memref<8x1024xf32, #tpu.memory_space<vmem>>)
      %dma_wait3A_145 = arith.constant 0 : i32
      %dma_wait3A_146 = arith.constant 0 : i32
      %dma_wait3A_147 = tpu.memref_slice %arg6[%dma_wait3A_145, %dma_wait3A_146] : memref<8x4096xf32, #tpu.memory_space<vmem>> -> memref<8x1024xf32, #tpu.memory_space<vmem>>
      %dma_wait3A_148 = arith.constant 0 : i32
      %dma_wait3A_149 = arith.constant 0 : i32
      %dma_wait3A_150 = tpu.memref_slice %arg2[%dma_wait3A_148, %dma_wait3A_149] : memref<4096x8192xf32, #tpu.memory_space<hbm>> -> memref<8x1024xf32, #tpu.memory_space<hbm>>
      %dma_wait3A_151 = arith.constant 0 : i32
      %dma_wait3A_152 = arith.constant 0 : i32
      %dma_wait3A_153 = tpu.memref_slice %arg6[%dma_wait3A_151, %dma_wait3A_152] : memref<8x4096xf32, #tpu.memory_space<vmem>> -> memref<8x1024xf32, #tpu.memory_space<vmem>>
      %dma_wait3A_154 = arith.constant 0 : i32
      %dma_wait3A_155 = arith.constant 0 : i32
      %dma_wait3A_156 = tpu.memref_slice %arg2[%dma_wait3A_154, %dma_wait3A_155] : memref<4096x8192xf32, #tpu.memory_space<hbm>> -> memref<8x1024xf32, #tpu.memory_space<hbm>>
      tpu.wait_dma2 semaphore(%arg12 : memref<!tpu.dma_semaphore, #tpu.memory_space<semaphore_mem>>) src(%dma_wait3A_156 : memref<8x1024xf32, #tpu.memory_space<hbm>>) dst(%dma_wait3A_153 : memref<8x1024xf32, #tpu.memory_space<vmem>>)
      %dma_wait3A_157 = arith.constant 0 : i32
      %dma_wait3A_158 = arith.constant 0 : i32
      %dma_wait3A_159 = tpu.memref_slice %arg6[%dma_wait3A_157, %dma_wait3A_158] : memref<8x4096xf32, #tpu.memory_space<vmem>> -> memref<8x1024xf32, #tpu.memory_space<vmem>>
      %dma_wait3A_160 = arith.constant 0 : i32
      %dma_wait3A_161 = arith.constant 0 : i32
      %dma_wait3A_162 = tpu.memref_slice %arg2[%dma_wait3A_160, %dma_wait3A_161] : memref<4096x8192xf32, #tpu.memory_space<hbm>> -> memref<8x1024xf32, #tpu.memory_space<hbm>>
      %dma_wait3A_163 = arith.constant 0 : i32
      %dma_wait3A_164 = arith.constant 0 : i32
      %dma_wait3A_165 = tpu.memref_slice %arg6[%dma_wait3A_163, %dma_wait3A_164] : memref<8x4096xf32, #tpu.memory_space<vmem>> -> memref<8x1024xf32, #tpu.memory_space<vmem>>
      %dma_wait3A_166 = arith.constant 0 : i32
      %dma_wait3A_167 = arith.constant 0 : i32
      %dma_wait3A_168 = tpu.memref_slice %arg2[%dma_wait3A_166, %dma_wait3A_167] : memref<4096x8192xf32, #tpu.memory_space<hbm>> -> memref<8x1024xf32, #tpu.memory_space<hbm>>
      tpu.wait_dma2 semaphore(%arg13 : memref<!tpu.dma_semaphore, #tpu.memory_space<semaphore_mem>>) src(%dma_wait3A_168 : memref<8x1024xf32, #tpu.memory_space<hbm>>) dst(%dma_wait3A_165 : memref<8x1024xf32, #tpu.memory_space<vmem>>)
      %ge3A = arith.constant 2 : i32
      %ge3A_169 = arith.cmpi sge, %add3A_120, %ge3A : i32
      %convert_element_type3A = arith.extui %ge3A_169 : i1 to i32
      %cond3A = arith.constant 0 : i32
      %cond3A_170 = arith.cmpi ne, %convert_element_type3A, %cond3A : i32
      scf.if %cond3A_170 {
        %dma_wait3A_258 = arith.constant 0 : i32
        %dma_wait3A_259 = arith.constant 0 : i32
        %dma_wait3A_260 = tpu.memref_slice %arg4[%dma_wait3A_258, %dma_wait3A_259] : memref<4096x2048xf32, #tpu.memory_space<hbm>> -> memref<8x1024xf32, #tpu.memory_space<hbm>>
        %dma_wait3A_261 = arith.constant 0 : i32
        %dma_wait3A_262 = arith.constant 0 : i32
        %dma_wait3A_263 = tpu.memref_slice %arg4[%dma_wait3A_261, %dma_wait3A_262] : memref<4096x2048xf32, #tpu.memory_space<hbm>> -> memref<8x1024xf32, #tpu.memory_space<hbm>>
        tpu.wait_dma2 semaphore(%arg18 : memref<!tpu.dma_semaphore, #tpu.memory_space<semaphore_mem>>) src(%arg8 : memref<8x1024xf32, #tpu.memory_space<vmem>>) dst(%dma_wait3A_263 : memref<8x1024xf32, #tpu.memory_space<hbm>>)
      } else {
      }
      %parallel_loop3A = arith.constant 0 : i32
      %parallel_loop3A_171 = arith.constant 64 : i32
      %parallel_loop3A_172 = arith.constant 1 : i32
      scf.for %parallel_loop3A_258 = %parallel_loop3A to %parallel_loop3A_171 step %parallel_loop3A_172  : i32 {
        %parallel_loop3A_259 = arith.constant 16 : i32
        %parallel_loop3A_260 = arith.muli %parallel_loop3A_258, %parallel_loop3A_259 : i32
        %parallel_loop3A_261 = arith.index_cast %parallel_loop3A_260 : i32 to index
        %parallel_loop3A_262 = tpu.vector_load %arg5[%parallel_loop3A_261] {strides = array<i32>} : memref<1024xi32, #tpu.memory_space<vmem>>, vector<16xi32>,
        %parallel_loop3A_263 = arith.constant 0 : i32
        %parallel_loop3A_264 = vector.broadcast %parallel_loop3A_263 : i32 to vector<16xi32>
        %parallel_loop3A_265 = tpu.vector_load_idx %arg6[%parallel_loop3A_264, %parallel_loop3A_262] : memref<8x4096xf32, #tpu.memory_space<vmem>>[vector<16xi32>, vector<16xi32>], vector<16xf32>,
        %parallel_loop3A_266 = arith.constant 16 : i32
        %parallel_loop3A_267 = arith.muli %parallel_loop3A_258, %parallel_loop3A_266 : i32
        %parallel_loop3A_268 = arith.constant 0 : i32
        %parallel_loop3A_269 = arith.index_cast %parallel_loop3A_268 : i32 to index
        %parallel_loop3A_270 = arith.index_cast %parallel_loop3A_267 : i32 to index
        %parallel_loop3A_271 = tpu.vector_load %arg8[%parallel_loop3A_269, %parallel_loop3A_270] {strides = array<i32>} : memref<8x1024xf32, #tpu.memory_space<vmem>>, vector<16xf32>,
        tpu.vector_store %arg8[%parallel_loop3A_269, %parallel_loop3A_270], %parallel_loop3A_265 {strides = array<i32>} : memref<8x1024xf32, #tpu.memory_space<vmem>>, vector<16xf32>,
        %parallel_loop3A_272 = arith.constant 1 : i32
        %parallel_loop3A_273 = vector.broadcast %parallel_loop3A_272 : i32 to vector<16xi32>
        %parallel_loop3A_274 = tpu.vector_load_idx %arg6[%parallel_loop3A_273, %parallel_loop3A_262] : memref<8x4096xf32, #tpu.memory_space<vmem>>[vector<16xi32>, vector<16xi32>], vector<16xf32>,
        %parallel_loop3A_275 = arith.constant 16 : i32
        %parallel_loop3A_276 = arith.muli %parallel_loop3A_258, %parallel_loop3A_275 : i32
        %parallel_loop3A_277 = arith.constant 1 : i32
        %parallel_loop3A_278 = arith.index_cast %parallel_loop3A_277 : i32 to index
        %parallel_loop3A_279 = arith.index_cast %parallel_loop3A_276 : i32 to index
        %parallel_loop3A_280 = tpu.vector_load %arg8[%parallel_loop3A_278, %parallel_loop3A_279] {strides = array<i32>} : memref<8x1024xf32, #tpu.memory_space<vmem>>, vector<16xf32>,
        tpu.vector_store %arg8[%parallel_loop3A_278, %parallel_loop3A_279], %parallel_loop3A_274 {strides = array<i32>} : memref<8x1024xf32, #tpu.memory_space<vmem>>, vector<16xf32>,
        %parallel_loop3A_281 = arith.constant 2 : i32
        %parallel_loop3A_282 = vector.broadcast %parallel_loop3A_281 : i32 to vector<16xi32>
        %parallel_loop3A_283 = tpu.vector_load_idx %arg6[%parallel_loop3A_282, %parallel_loop3A_262] : memref<8x4096xf32, #tpu.memory_space<vmem>>[vector<16xi32>, vector<16xi32>], vector<16xf32>,
        %parallel_loop3A_284 = arith.constant 16 : i32
        %parallel_loop3A_285 = arith.muli %parallel_loop3A_258, %parallel_loop3A_284 : i32
        %parallel_loop3A_286 = arith.constant 2 : i32
        %parallel_loop3A_287 = arith.index_cast %parallel_loop3A_286 : i32 to index
        %parallel_loop3A_288 = arith.index_cast %parallel_loop3A_285 : i32 to index
        %parallel_loop3A_289 = tpu.vector_load %arg8[%parallel_loop3A_287, %parallel_loop3A_288] {strides = array<i32>} : memref<8x1024xf32, #tpu.memory_space<vmem>>, vector<16xf32>,
        tpu.vector_store %arg8[%parallel_loop3A_287, %parallel_loop3A_288], %parallel_loop3A_283 {strides = array<i32>} : memref<8x1024xf32, #tpu.memory_space<vmem>>, vector<16xf32>,
        %parallel_loop3A_290 = arith.constant 3 : i32
        %parallel_loop3A_291 = vector.broadcast %parallel_loop3A_290 : i32 to vector<16xi32>
        %parallel_loop3A_292 = tpu.vector_load_idx %arg6[%parallel_loop3A_291, %parallel_loop3A_262] : memref<8x4096xf32, #tpu.memory_space<vmem>>[vector<16xi32>, vector<16xi32>], vector<16xf32>,
        %parallel_loop3A_293 = arith.constant 16 : i32
        %parallel_loop3A_294 = arith.muli %parallel_loop3A_258, %parallel_loop3A_293 : i32
        %parallel_loop3A_295 = arith.constant 3 : i32
        %parallel_loop3A_296 = arith.index_cast %parallel_loop3A_295 : i32 to index
        %parallel_loop3A_297 = arith.index_cast %parallel_loop3A_294 : i32 to index
        %parallel_loop3A_298 = tpu.vector_load %arg8[%parallel_loop3A_296, %parallel_loop3A_297] {strides = array<i32>} : memref<8x1024xf32, #tpu.memory_space<vmem>>, vector<16xf32>,
        tpu.vector_store %arg8[%parallel_loop3A_296, %parallel_loop3A_297], %parallel_loop3A_292 {strides = array<i32>} : memref<8x1024xf32, #tpu.memory_space<vmem>>, vector<16xf32>,
        %parallel_loop3A_299 = arith.constant 4 : i32
        %parallel_loop3A_300 = vector.broadcast %parallel_loop3A_299 : i32 to vector<16xi32>
        %parallel_loop3A_301 = tpu.vector_load_idx %arg6[%parallel_loop3A_300, %parallel_loop3A_262] : memref<8x4096xf32, #tpu.memory_space<vmem>>[vector<16xi32>, vector<16xi32>], vector<16xf32>,
        %parallel_loop3A_302 = arith.constant 16 : i32
        %parallel_loop3A_303 = arith.muli %parallel_loop3A_258, %parallel_loop3A_302 : i32
        %parallel_loop3A_304 = arith.constant 4 : i32
        %parallel_loop3A_305 = arith.index_cast %parallel_loop3A_304 : i32 to index
        %parallel_loop3A_306 = arith.index_cast %parallel_loop3A_303 : i32 to index
        %parallel_loop3A_307 = tpu.vector_load %arg8[%parallel_loop3A_305, %parallel_loop3A_306] {strides = array<i32>} : memref<8x1024xf32, #tpu.memory_space<vmem>>, vector<16xf32>,
        tpu.vector_store %arg8[%parallel_loop3A_305, %parallel_loop3A_306], %parallel_loop3A_301 {strides = array<i32>} : memref<8x1024xf32, #tpu.memory_space<vmem>>, vector<16xf32>,
        %parallel_loop3A_308 = arith.constant 5 : i32
        %parallel_loop3A_309 = vector.broadcast %parallel_loop3A_308 : i32 to vector<16xi32>
        %parallel_loop3A_310 = tpu.vector_load_idx %arg6[%parallel_loop3A_309, %parallel_loop3A_262] : memref<8x4096xf32, #tpu.memory_space<vmem>>[vector<16xi32>, vector<16xi32>], vector<16xf32>,
        %parallel_loop3A_311 = arith.constant 16 : i32
        %parallel_loop3A_312 = arith.muli %parallel_loop3A_258, %parallel_loop3A_311 : i32
        %parallel_loop3A_313 = arith.constant 5 : i32
        %parallel_loop3A_314 = arith.index_cast %parallel_loop3A_313 : i32 to index
        %parallel_loop3A_315 = arith.index_cast %parallel_loop3A_312 : i32 to index
        %parallel_loop3A_316 = tpu.vector_load %arg8[%parallel_loop3A_314, %parallel_loop3A_315] {strides = array<i32>} : memref<8x1024xf32, #tpu.memory_space<vmem>>, vector<16xf32>,
        tpu.vector_store %arg8[%parallel_loop3A_314, %parallel_loop3A_315], %parallel_loop3A_310 {strides = array<i32>} : memref<8x1024xf32, #tpu.memory_space<vmem>>, vector<16xf32>,
        %parallel_loop3A_317 = arith.constant 6 : i32
        %parallel_loop3A_318 = vector.broadcast %parallel_loop3A_317 : i32 to vector<16xi32>
        %parallel_loop3A_319 = tpu.vector_load_idx %arg6[%parallel_loop3A_318, %parallel_loop3A_262] : memref<8x4096xf32, #tpu.memory_space<vmem>>[vector<16xi32>, vector<16xi32>], vector<16xf32>,
        %parallel_loop3A_320 = arith.constant 16 : i32
        %parallel_loop3A_321 = arith.muli %parallel_loop3A_258, %parallel_loop3A_320 : i32
        %parallel_loop3A_322 = arith.constant 6 : i32
        %parallel_loop3A_323 = arith.index_cast %parallel_loop3A_322 : i32 to index
        %parallel_loop3A_324 = arith.index_cast %parallel_loop3A_321 : i32 to index
        %parallel_loop3A_325 = tpu.vector_load %arg8[%parallel_loop3A_323, %parallel_loop3A_324] {strides = array<i32>} : memref<8x1024xf32, #tpu.memory_space<vmem>>, vector<16xf32>,
        tpu.vector_store %arg8[%parallel_loop3A_323, %parallel_loop3A_324], %parallel_loop3A_319 {strides = array<i32>} : memref<8x1024xf32, #tpu.memory_space<vmem>>, vector<16xf32>,
        %parallel_loop3A_326 = arith.constant 7 : i32
        %parallel_loop3A_327 = vector.broadcast %parallel_loop3A_326 : i32 to vector<16xi32>
        %parallel_loop3A_328 = tpu.vector_load_idx %arg6[%parallel_loop3A_327, %parallel_loop3A_262] : memref<8x4096xf32, #tpu.memory_space<vmem>>[vector<16xi32>, vector<16xi32>], vector<16xf32>,
        %parallel_loop3A_329 = arith.constant 16 : i32
        %parallel_loop3A_330 = arith.muli %parallel_loop3A_258, %parallel_loop3A_329 : i32
        %parallel_loop3A_331 = arith.constant 7 : i32
        %parallel_loop3A_332 = arith.index_cast %parallel_loop3A_331 : i32 to index
        %parallel_loop3A_333 = arith.index_cast %parallel_loop3A_330 : i32 to index
        %parallel_loop3A_334 = tpu.vector_load %arg8[%parallel_loop3A_332, %parallel_loop3A_333] {strides = array<i32>} : memref<8x1024xf32, #tpu.memory_space<vmem>>, vector<16xf32>,
        tpu.vector_store %arg8[%parallel_loop3A_332, %parallel_loop3A_333], %parallel_loop3A_328 {strides = array<i32>} : memref<8x1024xf32, #tpu.memory_space<vmem>>, vector<16xf32>,
      } {sc.loop_unroll_factor = 4 : i64, sc.parallel_access}
      %mul3A_173 = arith.constant 8 : i32
      %mul3A_174 = arith.muli %add3A_120, %mul3A_173 : i32
      %add3A_175 = arith.addi %mul3A_0, %mul3A_174 : i32
      %mul3A_176 = arith.constant 1024 : i32
      %mul3A_177 = arith.muli %arg0, %mul3A_176 : i32
      %dma_start3A_178 = tpu.memref_slice %arg4[%add3A_175, %mul3A_177] : memref<4096x2048xf32, #tpu.memory_space<hbm>> -> memref<8x1024xf32, #tpu.memory_space<hbm>>
      %dma_start3A_179 = tpu.memref_slice %arg4[%add3A_175, %mul3A_177] : memref<4096x2048xf32, #tpu.memory_space<hbm>> -> memref<8x1024xf32, #tpu.memory_space<hbm>>
      tpu.enqueue_dma source(%arg8 : memref<8x1024xf32, #tpu.memory_space<vmem>>) target(%dma_start3A_179 : memref<8x1024xf32, #tpu.memory_space<hbm>>) target_semaphore(%arg18 : memref<!tpu.dma_semaphore, #tpu.memory_space<semaphore_mem>>)
      %add3A_180 = arith.constant 2 : i32
      %add3A_181 = arith.addi %add3A_120, %add3A_180 : i32
      %lt3A = arith.constant 32 : i32
      %lt3A_182 = arith.cmpi slt, %add3A_181, %lt3A : i32
      %convert_element_type3A_183 = arith.extui %lt3A_182 : i1 to i32
      %cond3A_184 = arith.constant 0 : i32
      %cond3A_185 = arith.cmpi ne, %convert_element_type3A_183, %cond3A_184 : i32
      scf.if %cond3A_185 {
        %add3A_258 = arith.constant 2 : i32
        %add3A_259 = arith.addi %add3A_120, %add3A_258 : i32
        %mul3A_260 = arith.constant 8 : i32
        %mul3A_261 = arith.muli %add3A_259, %mul3A_260 : i32
        %add3A_262 = arith.addi %mul3A_0, %mul3A_261 : i32
        %mul3A_263 = arith.constant 4096 : i32
        %mul3A_264 = arith.muli %arg0, %mul3A_263 : i32
        %add3A_265 = arith.constant 0 : i32
        %add3A_266 = arith.addi %mul3A_264, %add3A_265 : i32
        %dma_start3A_267 = arith.constant 0 : i32
        %dma_start3A_268 = arith.constant 0 : i32
        %dma_start3A_269 = tpu.memref_slice %arg6[%dma_start3A_267, %dma_start3A_268] : memref<8x4096xf32, #tpu.memory_space<vmem>> -> memref<8x1024xf32, #tpu.memory_space<vmem>>
        %dma_start3A_270 = tpu.memref_slice %arg2[%add3A_262, %add3A_266] : memref<4096x8192xf32, #tpu.memory_space<hbm>> -> memref<8x1024xf32, #tpu.memory_space<hbm>>
        %dma_start3A_271 = arith.constant 0 : i32
        %dma_start3A_272 = arith.constant 0 : i32
        %dma_start3A_273 = tpu.memref_slice %arg6[%dma_start3A_271, %dma_start3A_272] : memref<8x4096xf32, #tpu.memory_space<vmem>> -> memref<8x1024xf32, #tpu.memory_space<vmem>>
        %dma_start3A_274 = tpu.memref_slice %arg2[%add3A_262, %add3A_266] : memref<4096x8192xf32, #tpu.memory_space<hbm>> -> memref<8x1024xf32, #tpu.memory_space<hbm>>
        tpu.enqueue_dma source(%dma_start3A_274 : memref<8x1024xf32, #tpu.memory_space<hbm>>) target(%dma_start3A_273 : memref<8x1024xf32, #tpu.memory_space<vmem>>) target_semaphore(%arg10 : memref<!tpu.dma_semaphore, #tpu.memory_space<semaphore_mem>>)
        %mul3A_275 = arith.constant 4096 : i32
        %mul3A_276 = arith.muli %arg0, %mul3A_275 : i32
        %add3A_277 = arith.constant 1024 : i32
        %add3A_278 = arith.addi %mul3A_276, %add3A_277 : i32
        %dma_start3A_279 = arith.constant 0 : i32
        %dma_start3A_280 = arith.constant 1024 : i32
        %dma_start3A_281 = tpu.memref_slice %arg6[%dma_start3A_279, %dma_start3A_280] : memref<8x4096xf32, #tpu.memory_space<vmem>> -> memref<8x1024xf32, #tpu.memory_space<vmem>>
        %dma_start3A_282 = tpu.memref_slice %arg2[%add3A_262, %add3A_278] : memref<4096x8192xf32, #tpu.memory_space<hbm>> -> memref<8x1024xf32, #tpu.memory_space<hbm>>
        %dma_start3A_283 = arith.constant 0 : i32
        %dma_start3A_284 = arith.constant 1024 : i32
        %dma_start3A_285 = tpu.memref_slice %arg6[%dma_start3A_283, %dma_start3A_284] : memref<8x4096xf32, #tpu.memory_space<vmem>> -> memref<8x1024xf32, #tpu.memory_space<vmem>>
        %dma_start3A_286 = tpu.memref_slice %arg2[%add3A_262, %add3A_278] : memref<4096x8192xf32, #tpu.memory_space<hbm>> -> memref<8x1024xf32, #tpu.memory_space<hbm>>
        tpu.enqueue_dma source(%dma_start3A_286 : memref<8x1024xf32, #tpu.memory_space<hbm>>) target(%dma_start3A_285 : memref<8x1024xf32, #tpu.memory_space<vmem>>) target_semaphore(%arg11 : memref<!tpu.dma_semaphore, #tpu.memory_space<semaphore_mem>>)
        %mul3A_287 = arith.constant 4096 : i32
        %mul3A_288 = arith.muli %arg0, %mul3A_287 : i32
        %add3A_289 = arith.constant 2048 : i32
        %add3A_290 = arith.addi %mul3A_288, %add3A_289 : i32
        %dma_start3A_291 = arith.constant 0 : i32
        %dma_start3A_292 = arith.constant 2048 : i32
        %dma_start3A_293 = tpu.memref_slice %arg6[%dma_start3A_291, %dma_start3A_292] : memref<8x4096xf32, #tpu.memory_space<vmem>> -> memref<8x1024xf32, #tpu.memory_space<vmem>>
        %dma_start3A_294 = tpu.memref_slice %arg2[%add3A_262, %add3A_290] : memref<4096x8192xf32, #tpu.memory_space<hbm>> -> memref<8x1024xf32, #tpu.memory_space<hbm>>
        %dma_start3A_295 = arith.constant 0 : i32
        %dma_start3A_296 = arith.constant 2048 : i32
        %dma_start3A_297 = tpu.memref_slice %arg6[%dma_start3A_295, %dma_start3A_296] : memref<8x4096xf32, #tpu.memory_space<vmem>> -> memref<8x1024xf32, #tpu.memory_space<vmem>>
        %dma_start3A_298 = tpu.memref_slice %arg2[%add3A_262, %add3A_290] : memref<4096x8192xf32, #tpu.memory_space<hbm>> -> memref<8x1024xf32, #tpu.memory_space<hbm>>
        tpu.enqueue_dma source(%dma_start3A_298 : memref<8x1024xf32, #tpu.memory_space<hbm>>) target(%dma_start3A_297 : memref<8x1024xf32, #tpu.memory_space<vmem>>) target_semaphore(%arg12 : memref<!tpu.dma_semaphore, #tpu.memory_space<semaphore_mem>>)
        %mul3A_299 = arith.constant 4096 : i32
        %mul3A_300 = arith.muli %arg0, %mul3A_299 : i32
        %add3A_301 = arith.constant 3072 : i32
        %add3A_302 = arith.addi %mul3A_300, %add3A_301 : i32
        %dma_start3A_303 = arith.constant 0 : i32
        %dma_start3A_304 = arith.constant 3072 : i32
        %dma_start3A_305 = tpu.memref_slice %arg6[%dma_start3A_303, %dma_start3A_304] : memref<8x4096xf32, #tpu.memory_space<vmem>> -> memref<8x1024xf32, #tpu.memory_space<vmem>>
        %dma_start3A_306 = tpu.memref_slice %arg2[%add3A_262, %add3A_302] : memref<4096x8192xf32, #tpu.memory_space<hbm>> -> memref<8x1024xf32, #tpu.memory_space<hbm>>
        %dma_start3A_307 = arith.constant 0 : i32
        %dma_start3A_308 = arith.constant 3072 : i32
        %dma_start3A_309 = tpu.memref_slice %arg6[%dma_start3A_307, %dma_start3A_308] : memref<8x4096xf32, #tpu.memory_space<vmem>> -> memref<8x1024xf32, #tpu.memory_space<vmem>>
        %dma_start3A_310 = tpu.memref_slice %arg2[%add3A_262, %add3A_302] : memref<4096x8192xf32, #tpu.memory_space<hbm>> -> memref<8x1024xf32, #tpu.memory_space<hbm>>
        tpu.enqueue_dma source(%dma_start3A_310 : memref<8x1024xf32, #tpu.memory_space<hbm>>) target(%dma_start3A_309 : memref<8x1024xf32, #tpu.memory_space<vmem>>) target_semaphore(%arg13 : memref<!tpu.dma_semaphore, #tpu.memory_space<semaphore_mem>>)
      } else {
      }
      %add3A_186 = arith.constant 1 : i32
      %add3A_187 = arith.addi %add3A_118, %add3A_186 : i32
      %dma_wait3A_188 = arith.constant 0 : i32
      %dma_wait3A_189 = arith.constant 0 : i32
      %dma_wait3A_190 = tpu.memref_slice %arg7[%dma_wait3A_188, %dma_wait3A_189] : memref<8x4096xf32, #tpu.memory_space<vmem>> -> memref<8x1024xf32, #tpu.memory_space<vmem>>
      %dma_wait3A_191 = arith.constant 0 : i32
      %dma_wait3A_192 = arith.constant 0 : i32
      %dma_wait3A_193 = tpu.memref_slice %arg2[%dma_wait3A_191, %dma_wait3A_192] : memref<4096x8192xf32, #tpu.memory_space<hbm>> -> memref<8x1024xf32, #tpu.memory_space<hbm>>
      %dma_wait3A_194 = arith.constant 0 : i32
      %dma_wait3A_195 = arith.constant 0 : i32
      %dma_wait3A_196 = tpu.memref_slice %arg7[%dma_wait3A_194, %dma_wait3A_195] : memref<8x4096xf32, #tpu.memory_space<vmem>> -> memref<8x1024xf32, #tpu.memory_space<vmem>>
      %dma_wait3A_197 = arith.constant 0 : i32
      %dma_wait3A_198 = arith.constant 0 : i32
      %dma_wait3A_199 = tpu.memref_slice %arg2[%dma_wait3A_197, %dma_wait3A_198] : memref<4096x8192xf32, #tpu.memory_space<hbm>> -> memref<8x1024xf32, #tpu.memory_space<hbm>>
      tpu.wait_dma2 semaphore(%arg14 : memref<!tpu.dma_semaphore, #tpu.memory_space<semaphore_mem>>) src(%dma_wait3A_199 : memref<8x1024xf32, #tpu.memory_space<hbm>>) dst(%dma_wait3A_196 : memref<8x1024xf32, #tpu.memory_space<vmem>>)
      %dma_wait3A_200 = arith.constant 0 : i32
      %dma_wait3A_201 = arith.constant 0 : i32
      %dma_wait3A_202 = tpu.memref_slice %arg7[%dma_wait3A_200, %dma_wait3A_201] : memref<8x4096xf32, #tpu.memory_space<vmem>> -> memref<8x1024xf32, #tpu.memory_space<vmem>>
      %dma_wait3A_203 = arith.constant 0 : i32
      %dma_wait3A_204 = arith.constant 0 : i32
      %dma_wait3A_205 = tpu.memref_slice %arg2[%dma_wait3A_203, %dma_wait3A_204] : memref<4096x8192xf32, #tpu.memory_space<hbm>> -> memref<8x1024xf32, #tpu.memory_space<hbm>>
      %dma_wait3A_206 = arith.constant 0 : i32
      %dma_wait3A_207 = arith.constant 0 : i32
      %dma_wait3A_208 = tpu.memref_slice %arg7[%dma_wait3A_206, %dma_wait3A_207] : memref<8x4096xf32, #tpu.memory_space<vmem>> -> memref<8x1024xf32, #tpu.memory_space<vmem>>
      %dma_wait3A_209 = arith.constant 0 : i32
      %dma_wait3A_210 = arith.constant 0 : i32
      %dma_wait3A_211 = tpu.memref_slice %arg2[%dma_wait3A_209, %dma_wait3A_210] : memref<4096x8192xf32, #tpu.memory_space<hbm>> -> memref<8x1024xf32, #tpu.memory_space<hbm>>
      tpu.wait_dma2 semaphore(%arg15 : memref<!tpu.dma_semaphore, #tpu.memory_space<semaphore_mem>>) src(%dma_wait3A_211 : memref<8x1024xf32, #tpu.memory_space<hbm>>) dst(%dma_wait3A_208 : memref<8x1024xf32, #tpu.memory_space<vmem>>)
      %dma_wait3A_212 = arith.constant 0 : i32
      %dma_wait3A_213 = arith.constant 0 : i32
      %dma_wait3A_214 = tpu.memref_slice %arg7[%dma_wait3A_212, %dma_wait3A_213] : memref<8x4096xf32, #tpu.memory_space<vmem>> -> memref<8x1024xf32, #tpu.memory_space<vmem>>
      %dma_wait3A_215 = arith.constant 0 : i32
      %dma_wait3A_216 = arith.constant 0 : i32
      %dma_wait3A_217 = tpu.memref_slice %arg2[%dma_wait3A_215, %dma_wait3A_216] : memref<4096x8192xf32, #tpu.memory_space<hbm>> -> memref<8x1024xf32, #tpu.memory_space<hbm>>
      %dma_wait3A_218 = arith.constant 0 : i32
      %dma_wait3A_219 = arith.constant 0 : i32
      %dma_wait3A_220 = tpu.memref_slice %arg7[%dma_wait3A_218, %dma_wait3A_219] : memref<8x4096xf32, #tpu.memory_space<vmem>> -> memref<8x1024xf32, #tpu.memory_space<vmem>>
      %dma_wait3A_221 = arith.constant 0 : i32
      %dma_wait3A_222 = arith.constant 0 : i32
      %dma_wait3A_223 = tpu.memref_slice %arg2[%dma_wait3A_221, %dma_wait3A_222] : memref<4096x8192xf32, #tpu.memory_space<hbm>> -> memref<8x1024xf32, #tpu.memory_space<hbm>>
      tpu.wait_dma2 semaphore(%arg16 : memref<!tpu.dma_semaphore, #tpu.memory_space<semaphore_mem>>) src(%dma_wait3A_223 : memref<8x1024xf32, #tpu.memory_space<hbm>>) dst(%dma_wait3A_220 : memref<8x1024xf32, #tpu.memory_space<vmem>>)
      %dma_wait3A_224 = arith.constant 0 : i32
      %dma_wait3A_225 = arith.constant 0 : i32
      %dma_wait3A_226 = tpu.memref_slice %arg7[%dma_wait3A_224, %dma_wait3A_225] : memref<8x4096xf32, #tpu.memory_space<vmem>> -> memref<8x1024xf32, #tpu.memory_space<vmem>>
      %dma_wait3A_227 = arith.constant 0 : i32
      %dma_wait3A_228 = arith.constant 0 : i32
      %dma_wait3A_229 = tpu.memref_slice %arg2[%dma_wait3A_227, %dma_wait3A_228] : memref<4096x8192xf32, #tpu.memory_space<hbm>> -> memref<8x1024xf32, #tpu.memory_space<hbm>>
      %dma_wait3A_230 = arith.constant 0 : i32
      %dma_wait3A_231 = arith.constant 0 : i32
      %dma_wait3A_232 = tpu.memref_slice %arg7[%dma_wait3A_230, %dma_wait3A_231] : memref<8x4096xf32, #tpu.memory_space<vmem>> -> memref<8x1024xf32, #tpu.memory_space<vmem>>
      %dma_wait3A_233 = arith.constant 0 : i32
      %dma_wait3A_234 = arith.constant 0 : i32
      %dma_wait3A_235 = tpu.memref_slice %arg2[%dma_wait3A_233, %dma_wait3A_234] : memref<4096x8192xf32, #tpu.memory_space<hbm>> -> memref<8x1024xf32, #tpu.memory_space<hbm>>
      tpu.wait_dma2 semaphore(%arg17 : memref<!tpu.dma_semaphore, #tpu.memory_space<semaphore_mem>>) src(%dma_wait3A_235 : memref<8x1024xf32, #tpu.memory_space<hbm>>) dst(%dma_wait3A_232 : memref<8x1024xf32, #tpu.memory_space<vmem>>)
      %ge3A_236 = arith.constant 2 : i32
      %ge3A_237 = arith.cmpi sge, %add3A_187, %ge3A_236 : i32
      %convert_element_type3A_238 = arith.extui %ge3A_237 : i1 to i32
      %cond3A_239 = arith.constant 0 : i32
      %cond3A_240 = arith.cmpi ne, %convert_element_type3A_238, %cond3A_239 : i32
      scf.if %cond3A_240 {
        %dma_wait3A_258 = arith.constant 0 : i32
        %dma_wait3A_259 = arith.constant 0 : i32
        %dma_wait3A_260 = tpu.memref_slice %arg4[%dma_wait3A_258, %dma_wait3A_259] : memref<4096x2048xf32, #tpu.memory_space<hbm>> -> memref<8x1024xf32, #tpu.memory_space<hbm>>
        %dma_wait3A_261 = arith.constant 0 : i32
        %dma_wait3A_262 = arith.constant 0 : i32
        %dma_wait3A_263 = tpu.memref_slice %arg4[%dma_wait3A_261, %dma_wait3A_262] : memref<4096x2048xf32, #tpu.memory_space<hbm>> -> memref<8x1024xf32, #tpu.memory_space<hbm>>
        tpu.wait_dma2 semaphore(%arg19 : memref<!tpu.dma_semaphore, #tpu.memory_space<semaphore_mem>>) src(%arg9 : memref<8x1024xf32, #tpu.memory_space<vmem>>) dst(%dma_wait3A_263 : memref<8x1024xf32, #tpu.memory_space<hbm>>)
      } else {
      }
      %parallel_loop3A_241 = arith.constant 0 : i32
      %parallel_loop3A_242 = arith.constant 64 : i32
      %parallel_loop3A_243 = arith.constant 1 : i32
      scf.for %parallel_loop3A_258 = %parallel_loop3A_241 to %parallel_loop3A_242 step %parallel_loop3A_243  : i32 {
        %parallel_loop3A_259 = arith.constant 16 : i32
        %parallel_loop3A_260 = arith.muli %parallel_loop3A_258, %parallel_loop3A_259 : i32
        %parallel_loop3A_261 = arith.index_cast %parallel_loop3A_260 : i32 to index
        %parallel_loop3A_262 = tpu.vector_load %arg5[%parallel_loop3A_261] {strides = array<i32>} : memref<1024xi32, #tpu.memory_space<vmem>>, vector<16xi32>,
        %parallel_loop3A_263 = arith.constant 0 : i32
        %parallel_loop3A_264 = vector.broadcast %parallel_loop3A_263 : i32 to vector<16xi32>
        %parallel_loop3A_265 = tpu.vector_load_idx %arg7[%parallel_loop3A_264, %parallel_loop3A_262] : memref<8x4096xf32, #tpu.memory_space<vmem>>[vector<16xi32>, vector<16xi32>], vector<16xf32>,
        %parallel_loop3A_266 = arith.constant 16 : i32
        %parallel_loop3A_267 = arith.muli %parallel_loop3A_258, %parallel_loop3A_266 : i32
        %parallel_loop3A_268 = arith.constant 0 : i32
        %parallel_loop3A_269 = arith.index_cast %parallel_loop3A_268 : i32 to index
        %parallel_loop3A_270 = arith.index_cast %parallel_loop3A_267 : i32 to index
        %parallel_loop3A_271 = tpu.vector_load %arg9[%parallel_loop3A_269, %parallel_loop3A_270] {strides = array<i32>} : memref<8x1024xf32, #tpu.memory_space<vmem>>, vector<16xf32>,
        tpu.vector_store %arg9[%parallel_loop3A_269, %parallel_loop3A_270], %parallel_loop3A_265 {strides = array<i32>} : memref<8x1024xf32, #tpu.memory_space<vmem>>, vector<16xf32>,
        %parallel_loop3A_272 = arith.constant 1 : i32
        %parallel_loop3A_273 = vector.broadcast %parallel_loop3A_272 : i32 to vector<16xi32>
        %parallel_loop3A_274 = tpu.vector_load_idx %arg7[%parallel_loop3A_273, %parallel_loop3A_262] : memref<8x4096xf32, #tpu.memory_space<vmem>>[vector<16xi32>, vector<16xi32>], vector<16xf32>,
        %parallel_loop3A_275 = arith.constant 16 : i32
        %parallel_loop3A_276 = arith.muli %parallel_loop3A_258, %parallel_loop3A_275 : i32
        %parallel_loop3A_277 = arith.constant 1 : i32
        %parallel_loop3A_278 = arith.index_cast %parallel_loop3A_277 : i32 to index
        %parallel_loop3A_279 = arith.index_cast %parallel_loop3A_276 : i32 to index
        %parallel_loop3A_280 = tpu.vector_load %arg9[%parallel_loop3A_278, %parallel_loop3A_279] {strides = array<i32>} : memref<8x1024xf32, #tpu.memory_space<vmem>>, vector<16xf32>,
        tpu.vector_store %arg9[%parallel_loop3A_278, %parallel_loop3A_279], %parallel_loop3A_274 {strides = array<i32>} : memref<8x1024xf32, #tpu.memory_space<vmem>>, vector<16xf32>,
        %parallel_loop3A_281 = arith.constant 2 : i32
        %parallel_loop3A_282 = vector.broadcast %parallel_loop3A_281 : i32 to vector<16xi32>
        %parallel_loop3A_283 = tpu.vector_load_idx %arg7[%parallel_loop3A_282, %parallel_loop3A_262] : memref<8x4096xf32, #tpu.memory_space<vmem>>[vector<16xi32>, vector<16xi32>], vector<16xf32>,
        %parallel_loop3A_284 = arith.constant 16 : i32
        %parallel_loop3A_285 = arith.muli %parallel_loop3A_258, %parallel_loop3A_284 : i32
        %parallel_loop3A_286 = arith.constant 2 : i32
        %parallel_loop3A_287 = arith.index_cast %parallel_loop3A_286 : i32 to index
        %parallel_loop3A_288 = arith.index_cast %parallel_loop3A_285 : i32 to index
        %parallel_loop3A_289 = tpu.vector_load %arg9[%parallel_loop3A_287, %parallel_loop3A_288] {strides = array<i32>} : memref<8x1024xf32, #tpu.memory_space<vmem>>, vector<16xf32>,
        tpu.vector_store %arg9[%parallel_loop3A_287, %parallel_loop3A_288], %parallel_loop3A_283 {strides = array<i32>} : memref<8x1024xf32, #tpu.memory_space<vmem>>, vector<16xf32>,
        %parallel_loop3A_290 = arith.constant 3 : i32
        %parallel_loop3A_291 = vector.broadcast %parallel_loop3A_290 : i32 to vector<16xi32>
        %parallel_loop3A_292 = tpu.vector_load_idx %arg7[%parallel_loop3A_291, %parallel_loop3A_262] : memref<8x4096xf32, #tpu.memory_space<vmem>>[vector<16xi32>, vector<16xi32>], vector<16xf32>,
        %parallel_loop3A_293 = arith.constant 16 : i32
        %parallel_loop3A_294 = arith.muli %parallel_loop3A_258, %parallel_loop3A_293 : i32
        %parallel_loop3A_295 = arith.constant 3 : i32
        %parallel_loop3A_296 = arith.index_cast %parallel_loop3A_295 : i32 to index
        %parallel_loop3A_297 = arith.index_cast %parallel_loop3A_294 : i32 to index
        %parallel_loop3A_298 = tpu.vector_load %arg9[%parallel_loop3A_296, %parallel_loop3A_297] {strides = array<i32>} : memref<8x1024xf32, #tpu.memory_space<vmem>>, vector<16xf32>,
        tpu.vector_store %arg9[%parallel_loop3A_296, %parallel_loop3A_297], %parallel_loop3A_292 {strides = array<i32>} : memref<8x1024xf32, #tpu.memory_space<vmem>>, vector<16xf32>,
        %parallel_loop3A_299 = arith.constant 4 : i32
        %parallel_loop3A_300 = vector.broadcast %parallel_loop3A_299 : i32 to vector<16xi32>
        %parallel_loop3A_301 = tpu.vector_load_idx %arg7[%parallel_loop3A_300, %parallel_loop3A_262] : memref<8x4096xf32, #tpu.memory_space<vmem>>[vector<16xi32>, vector<16xi32>], vector<16xf32>,
        %parallel_loop3A_302 = arith.constant 16 : i32
        %parallel_loop3A_303 = arith.muli %parallel_loop3A_258, %parallel_loop3A_302 : i32
        %parallel_loop3A_304 = arith.constant 4 : i32
        %parallel_loop3A_305 = arith.index_cast %parallel_loop3A_304 : i32 to index
        %parallel_loop3A_306 = arith.index_cast %parallel_loop3A_303 : i32 to index
        %parallel_loop3A_307 = tpu.vector_load %arg9[%parallel_loop3A_305, %parallel_loop3A_306] {strides = array<i32>} : memref<8x1024xf32, #tpu.memory_space<vmem>>, vector<16xf32>,
        tpu.vector_store %arg9[%parallel_loop3A_305, %parallel_loop3A_306], %parallel_loop3A_301 {strides = array<i32>} : memref<8x1024xf32, #tpu.memory_space<vmem>>, vector<16xf32>,
        %parallel_loop3A_308 = arith.constant 5 : i32
        %parallel_loop3A_309 = vector.broadcast %parallel_loop3A_308 : i32 to vector<16xi32>
        %parallel_loop3A_310 = tpu.vector_load_idx %arg7[%parallel_loop3A_309, %parallel_loop3A_262] : memref<8x4096xf32, #tpu.memory_space<vmem>>[vector<16xi32>, vector<16xi32>], vector<16xf32>,
        %parallel_loop3A_311 = arith.constant 16 : i32
        %parallel_loop3A_312 = arith.muli %parallel_loop3A_258, %parallel_loop3A_311 : i32
        %parallel_loop3A_313 = arith.constant 5 : i32
        %parallel_loop3A_314 = arith.index_cast %parallel_loop3A_313 : i32 to index
        %parallel_loop3A_315 = arith.index_cast %parallel_loop3A_312 : i32 to index
        %parallel_loop3A_316 = tpu.vector_load %arg9[%parallel_loop3A_314, %parallel_loop3A_315] {strides = array<i32>} : memref<8x1024xf32, #tpu.memory_space<vmem>>, vector<16xf32>,
        tpu.vector_store %arg9[%parallel_loop3A_314, %parallel_loop3A_315], %parallel_loop3A_310 {strides = array<i32>} : memref<8x1024xf32, #tpu.memory_space<vmem>>, vector<16xf32>,
        %parallel_loop3A_317 = arith.constant 6 : i32
        %parallel_loop3A_318 = vector.broadcast %parallel_loop3A_317 : i32 to vector<16xi32>
        %parallel_loop3A_319 = tpu.vector_load_idx %arg7[%parallel_loop3A_318, %parallel_loop3A_262] : memref<8x4096xf32, #tpu.memory_space<vmem>>[vector<16xi32>, vector<16xi32>], vector<16xf32>,
        %parallel_loop3A_320 = arith.constant 16 : i32
        %parallel_loop3A_321 = arith.muli %parallel_loop3A_258, %parallel_loop3A_320 : i32
        %parallel_loop3A_322 = arith.constant 6 : i32
        %parallel_loop3A_323 = arith.index_cast %parallel_loop3A_322 : i32 to index
        %parallel_loop3A_324 = arith.index_cast %parallel_loop3A_321 : i32 to index
        %parallel_loop3A_325 = tpu.vector_load %arg9[%parallel_loop3A_323, %parallel_loop3A_324] {strides = array<i32>} : memref<8x1024xf32, #tpu.memory_space<vmem>>, vector<16xf32>,
        tpu.vector_store %arg9[%parallel_loop3A_323, %parallel_loop3A_324], %parallel_loop3A_319 {strides = array<i32>} : memref<8x1024xf32, #tpu.memory_space<vmem>>, vector<16xf32>,
        %parallel_loop3A_326 = arith.constant 7 : i32
        %parallel_loop3A_327 = vector.broadcast %parallel_loop3A_326 : i32 to vector<16xi32>
        %parallel_loop3A_328 = tpu.vector_load_idx %arg7[%parallel_loop3A_327, %parallel_loop3A_262] : memref<8x4096xf32, #tpu.memory_space<vmem>>[vector<16xi32>, vector<16xi32>], vector<16xf32>,
        %parallel_loop3A_329 = arith.constant 16 : i32
        %parallel_loop3A_330 = arith.muli %parallel_loop3A_258, %parallel_loop3A_329 : i32
        %parallel_loop3A_331 = arith.constant 7 : i32
        %parallel_loop3A_332 = arith.index_cast %parallel_loop3A_331 : i32 to index
        %parallel_loop3A_333 = arith.index_cast %parallel_loop3A_330 : i32 to index
        %parallel_loop3A_334 = tpu.vector_load %arg9[%parallel_loop3A_332, %parallel_loop3A_333] {strides = array<i32>} : memref<8x1024xf32, #tpu.memory_space<vmem>>, vector<16xf32>,
        tpu.vector_store %arg9[%parallel_loop3A_332, %parallel_loop3A_333], %parallel_loop3A_328 {strides = array<i32>} : memref<8x1024xf32, #tpu.memory_space<vmem>>, vector<16xf32>,
      } {sc.loop_unroll_factor = 4 : i64, sc.parallel_access}
      %mul3A_244 = arith.constant 8 : i32
      %mul3A_245 = arith.muli %add3A_187, %mul3A_244 : i32
      %add3A_246 = arith.addi %mul3A_0, %mul3A_245 : i32
      %mul3A_247 = arith.constant 1024 : i32
      %mul3A_248 = arith.muli %arg0, %mul3A_247 : i32
      %dma_start3A_249 = tpu.memref_slice %arg4[%add3A_246, %mul3A_248] : memref<4096x2048xf32, #tpu.memory_space<hbm>> -> memref<8x1024xf32, #tpu.memory_space<hbm>>
      %dma_start3A_250 = tpu.memref_slice %arg4[%add3A_246, %mul3A_248] : memref<4096x2048xf32, #tpu.memory_space<hbm>> -> memref<8x1024xf32, #tpu.memory_space<hbm>>
      tpu.enqueue_dma source(%arg9 : memref<8x1024xf32, #tpu.memory_space<vmem>>) target(%dma_start3A_250 : memref<8x1024xf32, #tpu.memory_space<hbm>>) target_semaphore(%arg19 : memref<!tpu.dma_semaphore, #tpu.memory_space<semaphore_mem>>)
      %add3A_251 = arith.constant 2 : i32
      %add3A_252 = arith.addi %add3A_187, %add3A_251 : i32
      %lt3A_253 = arith.constant 32 : i32
      %lt3A_254 = arith.cmpi slt, %add3A_252, %lt3A_253 : i32
      %convert_element_type3A_255 = arith.extui %lt3A_254 : i1 to i32
      %cond3A_256 = arith.constant 0 : i32
      %cond3A_257 = arith.cmpi ne, %convert_element_type3A_255, %cond3A_256 : i32
      scf.if %cond3A_257 {
        %add3A_258 = arith.constant 2 : i32
        %add3A_259 = arith.addi %add3A_187, %add3A_258 : i32
        %mul3A_260 = arith.constant 8 : i32
        %mul3A_261 = arith.muli %add3A_259, %mul3A_260 : i32
        %add3A_262 = arith.addi %mul3A_0, %mul3A_261 : i32
        %mul3A_263 = arith.constant 4096 : i32
        %mul3A_264 = arith.muli %arg0, %mul3A_263 : i32
        %add3A_265 = arith.constant 0 : i32
        %add3A_266 = arith.addi %mul3A_264, %add3A_265 : i32
        %dma_start3A_267 = arith.constant 0 : i32
        %dma_start3A_268 = arith.constant 0 : i32
        %dma_start3A_269 = tpu.memref_slice %arg7[%dma_start3A_267, %dma_start3A_268] : memref<8x4096xf32, #tpu.memory_space<vmem>> -> memref<8x1024xf32, #tpu.memory_space<vmem>>
        %dma_start3A_270 = tpu.memref_slice %arg2[%add3A_262, %add3A_266] : memref<4096x8192xf32, #tpu.memory_space<hbm>> -> memref<8x1024xf32, #tpu.memory_space<hbm>>
        %dma_start3A_271 = arith.constant 0 : i32
        %dma_start3A_272 = arith.constant 0 : i32
        %dma_start3A_273 = tpu.memref_slice %arg7[%dma_start3A_271, %dma_start3A_272] : memref<8x4096xf32, #tpu.memory_space<vmem>> -> memref<8x1024xf32, #tpu.memory_space<vmem>>
        %dma_start3A_274 = tpu.memref_slice %arg2[%add3A_262, %add3A_266] : memref<4096x8192xf32, #tpu.memory_space<hbm>> -> memref<8x1024xf32, #tpu.memory_space<hbm>>
        tpu.enqueue_dma source(%dma_start3A_274 : memref<8x1024xf32, #tpu.memory_space<hbm>>) target(%dma_start3A_273 : memref<8x1024xf32, #tpu.memory_space<vmem>>) target_semaphore(%arg14 : memref<!tpu.dma_semaphore, #tpu.memory_space<semaphore_mem>>)
        %mul3A_275 = arith.constant 4096 : i32
        %mul3A_276 = arith.muli %arg0, %mul3A_275 : i32
        %add3A_277 = arith.constant 1024 : i32
        %add3A_278 = arith.addi %mul3A_276, %add3A_277 : i32
        %dma_start3A_279 = arith.constant 0 : i32
        %dma_start3A_280 = arith.constant 1024 : i32
        %dma_start3A_281 = tpu.memref_slice %arg7[%dma_start3A_279, %dma_start3A_280] : memref<8x4096xf32, #tpu.memory_space<vmem>> -> memref<8x1024xf32, #tpu.memory_space<vmem>>
        %dma_start3A_282 = tpu.memref_slice %arg2[%add3A_262, %add3A_278] : memref<4096x8192xf32, #tpu.memory_space<hbm>> -> memref<8x1024xf32, #tpu.memory_space<hbm>>
        %dma_start3A_283 = arith.constant 0 : i32
        %dma_start3A_284 = arith.constant 1024 : i32
        %dma_start3A_285 = tpu.memref_slice %arg7[%dma_start3A_283, %dma_start3A_284] : memref<8x4096xf32, #tpu.memory_space<vmem>> -> memref<8x1024xf32, #tpu.memory_space<vmem>>
        %dma_start3A_286 = tpu.memref_slice %arg2[%add3A_262, %add3A_278] : memref<4096x8192xf32, #tpu.memory_space<hbm>> -> memref<8x1024xf32, #tpu.memory_space<hbm>>
        tpu.enqueue_dma source(%dma_start3A_286 : memref<8x1024xf32, #tpu.memory_space<hbm>>) target(%dma_start3A_285 : memref<8x1024xf32, #tpu.memory_space<vmem>>) target_semaphore(%arg15 : memref<!tpu.dma_semaphore, #tpu.memory_space<semaphore_mem>>)
        %mul3A_287 = arith.constant 4096 : i32
        %mul3A_288 = arith.muli %arg0, %mul3A_287 : i32
        %add3A_289 = arith.constant 2048 : i32
        %add3A_290 = arith.addi %mul3A_288, %add3A_289 : i32
        %dma_start3A_291 = arith.constant 0 : i32
        %dma_start3A_292 = arith.constant 2048 : i32
        %dma_start3A_293 = tpu.memref_slice %arg7[%dma_start3A_291, %dma_start3A_292] : memref<8x4096xf32, #tpu.memory_space<vmem>> -> memref<8x1024xf32, #tpu.memory_space<vmem>>
        %dma_start3A_294 = tpu.memref_slice %arg2[%add3A_262, %add3A_290] : memref<4096x8192xf32, #tpu.memory_space<hbm>> -> memref<8x1024xf32, #tpu.memory_space<hbm>>
        %dma_start3A_295 = arith.constant 0 : i32
        %dma_start3A_296 = arith.constant 2048 : i32
        %dma_start3A_297 = tpu.memref_slice %arg7[%dma_start3A_295, %dma_start3A_296] : memref<8x4096xf32, #tpu.memory_space<vmem>> -> memref<8x1024xf32, #tpu.memory_space<vmem>>
        %dma_start3A_298 = tpu.memref_slice %arg2[%add3A_262, %add3A_290] : memref<4096x8192xf32, #tpu.memory_space<hbm>> -> memref<8x1024xf32, #tpu.memory_space<hbm>>
        tpu.enqueue_dma source(%dma_start3A_298 : memref<8x1024xf32, #tpu.memory_space<hbm>>) target(%dma_start3A_297 : memref<8x1024xf32, #tpu.memory_space<vmem>>) target_semaphore(%arg16 : memref<!tpu.dma_semaphore, #tpu.memory_space<semaphore_mem>>)
        %mul3A_299 = arith.constant 4096 : i32
        %mul3A_300 = arith.muli %arg0, %mul3A_299 : i32
        %add3A_301 = arith.constant 3072 : i32
        %add3A_302 = arith.addi %mul3A_300, %add3A_301 : i32
        %dma_start3A_303 = arith.constant 0 : i32
        %dma_start3A_304 = arith.constant 3072 : i32
        %dma_start3A_305 = tpu.memref_slice %arg7[%dma_start3A_303, %dma_start3A_304] : memref<8x4096xf32, #tpu.memory_space<vmem>> -> memref<8x1024xf32, #tpu.memory_space<vmem>>
        %dma_start3A_306 = tpu.memref_slice %arg2[%add3A_262, %add3A_302] : memref<4096x8192xf32, #tpu.memory_space<hbm>> -> memref<8x1024xf32, #tpu.memory_space<hbm>>
        %dma_start3A_307 = arith.constant 0 : i32
        %dma_start3A_308 = arith.constant 3072 : i32
        %dma_start3A_309 = tpu.memref_slice %arg7[%dma_start3A_307, %dma_start3A_308] : memref<8x4096xf32, #tpu.memory_space<vmem>> -> memref<8x1024xf32, #tpu.memory_space<vmem>>
        %dma_start3A_310 = tpu.memref_slice %arg2[%add3A_262, %add3A_302] : memref<4096x8192xf32, #tpu.memory_space<hbm>> -> memref<8x1024xf32, #tpu.memory_space<hbm>>
        tpu.enqueue_dma source(%dma_start3A_310 : memref<8x1024xf32, #tpu.memory_space<hbm>>) target(%dma_start3A_309 : memref<8x1024xf32, #tpu.memory_space<vmem>>) target_semaphore(%arg17 : memref<!tpu.dma_semaphore, #tpu.memory_space<semaphore_mem>>)
      } else {
      }
    }
    %scan3A_102 = arith.constant 16 : i32
    %dma_wait3A = arith.constant 0 : i32
    %dma_wait3A_103 = arith.constant 0 : i32
    %dma_wait3A_104 = tpu.memref_slice %arg4[%dma_wait3A, %dma_wait3A_103] : memref<4096x2048xf32, #tpu.memory_space<hbm>> -> memref<8x1024xf32, #tpu.memory_space<hbm>>
    %dma_wait3A_105 = arith.constant 0 : i32
    %dma_wait3A_106 = arith.constant 0 : i32
    %dma_wait3A_107 = tpu.memref_slice %arg4[%dma_wait3A_105, %dma_wait3A_106] : memref<4096x2048xf32, #tpu.memory_space<hbm>> -> memref<8x1024xf32, #tpu.memory_space<hbm>>
    tpu.wait_dma2 semaphore(%arg18 : memref<!tpu.dma_semaphore, #tpu.memory_space<semaphore_mem>>) src(%arg8 : memref<8x1024xf32, #tpu.memory_space<vmem>>) dst(%dma_wait3A_107 : memref<8x1024xf32, #tpu.memory_space<hbm>>)
    %dma_wait3A_108 = arith.constant 0 : i32
    %dma_wait3A_109 = arith.constant 0 : i32
    %dma_wait3A_110 = tpu.memref_slice %arg4[%dma_wait3A_108, %dma_wait3A_109] : memref<4096x2048xf32, #tpu.memory_space<hbm>> -> memref<8x1024xf32, #tpu.memory_space<hbm>>
    %dma_wait3A_111 = arith.constant 0 : i32
    %dma_wait3A_112 = arith.constant 0 : i32
    %dma_wait3A_113 = tpu.memref_slice %arg4[%dma_wait3A_111, %dma_wait3A_112] : memref<4096x2048xf32, #tpu.memory_space<hbm>> -> memref<8x1024xf32, #tpu.memory_space<hbm>>
    tpu.wait_dma2 semaphore(%arg19 : memref<!tpu.dma_semaphore, #tpu.memory_space<semaphore_mem>>) src(%arg9 : memref<8x1024xf32, #tpu.memory_space<vmem>>) dst(%dma_wait3A_113 : memref<8x1024xf32, #tpu.memory_space<hbm>>)
    return
  }
}

</mosaic_0001>

<sc_bundles>
// kernel: kernel.3.cloned.1.call-start
scs
__scs_entry_jumppad:
0x0: {  	(pc) =	sbr.rel $0x88, $3  }
0x1: {  	(tag) =	ssettag $0x0;
	lr =	simm.s32 $0x1  }
0x2: {  	[smem:$0x3F9F] =	sst lr;
	_ =	strace $0xD0000000  }
0x3: {  	_ = 	snop  }
0x4: {  	_ = 	snop  }
0x5: {  	_ = 	snop  }
0x6: {  	_ = 	snop  }
0x7: {  	_ = 	snop  }
__scs_overlays_trampoline_lowered:
0x8: {  	[smem:$0x3FAE] =	sst s0  }
0x9: {  	[smem:$0x3FAF] =	sst s1  }
0xa: {  	[smem:$0x3FB0] =	sst s2  }
0xb: {  	[smem:$0x3FB1] =	sst s3  }
0xc: {  	[smem:$0x3FB2] =	sst s4  }
0xd: {  	[smem:$0x3FB3] =	sst s5  }
0xe: {  	[smem:$0x3FB4] =	sst s6  }
0xf: {  	[smem:$0x3FB5] =	sst s7  }
0x10: {  	[smem:$0x3FB6] =	sst s8  }
0x11: {  	[smem:$0x3FB7] =	sst s9;
	s0 =	simm.s32 @!p0 $0x0  }
0x12: {  	s1 =	sld [smem:$0x3F9D];
	s0 =	simm.s32 @p0 $0x1  }
0x13: {  	[smem:$0x3FB8] =	sst s0;
	s0 =	simm.s32 @!p1 $0x0  }
0x14: {  	s2 =	sld [smem:$0x3F9C];
	s0 =	simm.s32 @p1 $0x1  }
0x15: {  	[smem:$0x3FB9] =	sst s0;
	s0 =	simm.s32 @!p2 $0x0  }
0x16: {  	s3 =	sld [smem:$0x3FDB];
	s0 =	simm.s32 @p2 $0x1  }
0x17: {  	s4 =	simm.s32 $0x1BF5;
	[smem:$0x3FBB] =	sst s0  }
0x18: {  	s0 =	sld [smem:$0x3F9E];
	_ =	swait.ge [sflag:s4], $0x0  }
0x19: {  	s7 =	sld [smem:$0x3F9F]  }
0x1a: {  	s8 =	sadd.s32 $0xFFFFE003, lr  }
0x1b: {  	s9 =	sadd.s32 $0xFFFFFEF7, lr;
	s5 =	simm.s32 $0xFFFFFFFF;
	p2 =	slt.u32 s8, $0xFFFFF086  }
0x1c: {  	p1 =	slt.u32 s9, $0xF7A;
	s5 =	simm.s32 @!p2 $0x0  }
0x1d: {  	s5 =	simm.s32 @p1 $0x1;
	p0 =	seq.s32 s7, s2  }
0x1e: {  	s7 =	smul.u32 @!p0 $0xF7A, s2;
	p2 =	seq.s32 @!p0 s5, $0x0  }
0x1f: {  	s9 =	smul.u32 $0xF7A, s1;
	s8 =	simm.s32 @!p0 $0x1BF5;
	p2 =	por !p2, p0  }
0x20: {  	[sflag:s8] =	ssyncset.s32 @!p0 $0xFFFFF086;
	s6 =	sadd.s32 @!p0 s3, s7;
	s7 =	simm.s32 @!p0 $0x108  }
0x21: {  	s3 =	sadd.s32 s3, s9;
	s6 =	sadd.s32 @!p0 $0x88, s6;
	s7 =	simm.s32 @p2 $0x1082  }
0x22: {  	[simem:s7], [sflag:s8] =	dma.local @!p0 [hbm:s6], $0xF7A  }
0x23: {  	s9 =	sor.u32 $0xD0000000, s2;
	s6 =	simm.s32 $0x108;
	_ =	swait.ge @!p0 [sflag:s8], $0x0  }
0x24: {  	s3 =	sadd.s32 $0x88, s3;
	s6 =	simm.s32 @!p1 $0x1082;
	[sflag:s4] =	ssyncset.s32 $0xFFFFF086  }
0x25: {  	[simem:s6], [sflag:s4] =	dma.local [hbm:s3], $0xF7A  }
0x26: {  	[smem:$0x3F9F] =	sst s1;
	(tag) =	ssettag s2;
	_ =	strace s9  }
0x27: {  	s1 =	sld [smem:$0x3FAF]  }
0x28: {  	s2 =	sld [smem:$0x3FB0]  }
0x29: {  	s4 =	sld [smem:$0x3FB2]  }
0x2a: {  	p0 =	seq.s32 s5, $0x0;
	s5 =	sld [smem:$0x3FB3]  }
0x2b: {  	s6 =	sld [smem:$0x3FB4]  }
0x2c: {  	s7 =	sld [smem:$0x3FB5]  }
0x2d: {  	s3 =	simm.s32 $0x108;
	s8 =	sld [smem:$0x3FB6]  }
0x2e: {  	s3 =	simm.s32 @!p0 $0x1082;
	s9 =	sld [smem:$0x3FB7]  }
0x2f: {  	lr =	sadd.s32 s0, s3;
	s0 =	sld [smem:$0x3FAE]  }
0x30: {  	s3 =	sld [smem:$0x3FB1]  }
0x31: {  	[smem:$0x3FBA] =	sst s10  }
0x32: {  	s10 =	sld [smem:$0x3FB8];
	_ =	sdelay $0x3  }
0x33: {  	p0 =	seq.s32 s10, $0x1;
	s10 =	sld [smem:$0x3FBA];
	_ =	sdelay $0x3  }
0x34: {  	[smem:$0x3FBA] =	sst s10  }
0x35: {  	s10 =	sld [smem:$0x3FB9];
	_ =	sdelay $0x3  }
0x36: {  	p1 =	seq.s32 s10, $0x1;
	s10 =	sld [smem:$0x3FBA];
	_ =	sdelay $0x3  }
0x37: {  	[smem:$0x3FBA] =	sst s10  }
0x38: {  	s10 =	sld [smem:$0x3FBB]  }
0x39: {  	_ = 	snop;
	(pc) =	sbr.ind lr, $3  }
0x3a: {  	_ = 	snop  }
0x3b: {  	_ = 	snop  }
0x3c: {  	p2 =	seq.s32 s10, $0x1;
	s10 =	sld [smem:$0x3FBA]  }
0x3d: {  	_ =	shalt  }
0x3e: {  	_ =	shalt  }
0x3f: {  	_ =	shalt  }
0x40: {  	_ =	shalt  }
0x41: {  	_ =	shalt  }
0x42: {  	_ =	shalt  }
0x43: {  	_ =	shalt  }
0x44: {  	_ =	shalt  }
0x45: {  	_ =	shalt  }
0x46: {  	_ =	shalt  }
0x47: {  	_ =	shalt  }
0x48: {  	_ =	shalt  }
0x49: {  	_ =	shalt  }
0x4a: {  	_ =	shalt  }
0x4b: {  	_ =	shalt  }
0x4c: {  	_ =	shalt  }
0x4d: {  	_ =	shalt  }
0x4e: {  	_ =	shalt  }
0x4f: {  	_ =	shalt  }
0x50: {  	_ =	shalt  }
0x51: {  	_ =	shalt  }
0x52: {  	_ =	shalt  }
0x53: {  	_ =	shalt  }
0x54: {  	_ =	shalt  }
0x55: {  	_ =	shalt  }
0x56: {  	_ =	shalt  }
0x57: {  	_ =	shalt  }
0x58: {  	_ =	shalt  }
0x59: {  	_ =	shalt  }
0x5a: {  	_ =	shalt  }
0x5b: {  	_ =	shalt  }
0x5c: {  	_ =	shalt  }
0x5d: {  	_ =	shalt  }
0x5e: {  	_ =	shalt  }
0x5f: {  	_ =	shalt  }
0x60: {  	_ =	shalt  }
0x61: {  	_ =	shalt  }
0x62: {  	_ =	shalt  }
0x63: {  	_ =	shalt  }
0x64: {  	_ =	shalt  }
0x65: {  	_ =	shalt  }
0x66: {  	_ =	shalt  }
0x67: {  	_ =	shalt  }
0x68: {  	_ =	shalt  }
0x69: {  	_ =	shalt  }
0x6a: {  	_ =	shalt  }
0x6b: {  	_ =	shalt  }
0x6c: {  	_ =	shalt  }
0x6d: {  	_ =	shalt  }
0x6e: {  	_ =	shalt  }
0x6f: {  	_ =	shalt  }
0x70: {  	_ =	shalt  }
0x71: {  	_ =	shalt  }
0x72: {  	_ =	shalt  }
0x73: {  	_ =	shalt  }
0x74: {  	_ =	shalt  }
0x75: {  	_ =	shalt  }
0x76: {  	_ =	shalt  }
0x77: {  	_ =	shalt  }
0x78: {  	_ =	shalt  }
0x79: {  	_ =	shalt  }
0x7a: {  	_ =	shalt  }
0x7b: {  	_ =	shalt  }
0x7c: {  	_ =	shalt  }
0x7d: {  	_ =	shalt  }
0x7e: {  	_ =	shalt  }
0x7f: {  	_ =	shalt  }
0x80: {  	_ =	shalt  }
0x81: {  	_ =	shalt  }
0x82: {  	_ =	shalt  }
0x83: {  	_ =	shalt  }
0x84: {  	_ =	shalt  }
0x85: {  	_ =	shalt  }
0x86: {  	_ =	shalt  }
0x87: {  	_ =	shalt  }
.Lfunc_end0:
.L_simem_size_0:
called_computation_lowered:
.L_overlay_start_0:
0x88: {  	s2 =	sld [smem:$0x3FD9]  }
0x89: {  	s3 =	sld [smem:$0x3FFE];
	_ =	sdelay $0x1  }
0x8a: {  	s1 =	srdreg.scid  }
0x8b: {  	s0 =	sand.u32 $0x1, s1  }
0x8c: {  	s17 =	sshll.u32 s0, $0xA;
	s2 =	sadd.s32 s3, s2  }
0x8d: {  	s2 =	sadd.s32 s2, s17  }
0x8e: {  	[smem:$0x3FC6] =	sst s2  }
0x8f: {  	_ = 	snop  }
0x90: {  	s2 =	sld [smem:$0x3FC9]  }
0x91: {  	s18 =	sld [smem:$0x3FD0];
	(tm) =	ssettm $0x1  }
0x92: {  	s4 =	sld [smem:$0x3FFB];
	_ =	sdelay $0x3  }
0x93: {  	_ =	strace s4  }
0x94: {  	s4 =	sld [smem:$0x3FFC];
	_ =	sdelay $0x3  }
0x95: {  	_ =	strace s4  }
0x96: {  	s4 =	sld [smem:$0x3FFD];
	_ =	sdelay $0x3  }
0x97: {  	_ =	strace s4  }
0x98: {  	_ =	strace $0x8FFFFFFF  }
0x99: {  	s19 =	sld [smem:$0x3FDB];
	_ =	sdelay $0x1  }
0x9a: {  	s5 =	simm.s32 $_scs_section_size  }
0x9b: {  	s6 =	simm.s32 $_size__tile_overlayer_lowered;
	s7 =	simm.s32 $_tile_overlayer_lowered  }
0x9c: {  	s22 =	simm.s32 $0x1BFF;
	s21 =	sshll.u32 s7, $0x1;
	s4 =	sadd.s32 s5, s19  }
0x9d: {  	s8 =	simm.s32 $0x0;
	s20 =	sshll.u32 s6, $0x1;
	s6 =	sadd.s32 s21, s4  }
0x9e: {  	[timem:s8], [sflag:s22] =	dma.local [hbm:s6], s20  }
0x9f: {  	_ =	swait.ge [sflag:s22], s20  }
0xa0: {  	s5 =	ssub.s32 $0x0, s20;
	[sflag:s22] =	ssyncset.done $0x0  }
0xa1: {  	[sflag:s22] =	ssyncadd.s32 s5;
	_ =	sdelay $0x1  }
0xa2: {  	s23 =	simm.s32 $0x1B8B  }
0xa3: {  	_ =	swait.ge [sflag:s23], $0x1  }
0xa4: {  	[sflag:s23] =	ssyncset.done $0x0  }
0xa5: {  	s25 =	simm.s32 $0x1B8E;
	s24 =	sld [smem:$0x3FFE];
	[sflag:s23] =	ssyncadd.s32 $0xFFFFFFFF  }
0xa6: {  	s26 =	simm.s32 $execute0_lowered;
	[smem:$0x3FD2] =	sst s25  }
0xa7: {  	s6 =	sshll.u32 s26, $0x1;
	_ =	strace $0x80000046;
	[dreg:$0x1] =	wrdreg $0xFFFFFFFF  }
0xa8: {  	s28 =	simm.s32 $_size_execute0_lowered;
	s4 =	sadd.s32 s4, s6;
	[dreg:$0x0] =	wrdreg $0x0  }
0xa9: {  	s6 =	sshll.u32 s28, $0x1;
	[dreg:$0x2] =	wrdreg s4  }
0xaa: {  	[dreg:$0x3] =	wrdreg s6  }
0xab: {  	[dreg:$0x4] =	wrdreg $0xC0  }
0xac: {  	_ =	task [dreg:s8], $0x5FFFF  }
0xad: {  	[dreg:$0x1] =	wrdreg $0xFFFFFFFF  }
0xae: {  	[dreg:$0x0] =	wrdreg $0x60  }
0xaf: {  	[dreg:$0x2] =	wrdreg s2  }
0xb0: {  	[dreg:$0x3] =	wrdreg s24  }
0xb1: {  	[dreg:$0x4] =	wrdreg s18  }
0xb2: {  	[dreg:$0x5] =	wrdreg $0x9  }
0xb3: {  	_ =	task.clear_ibuf [dreg:s8], $0x6FFFF;
	_ =	strace $0x90000046  }
0xb4: {  	s29 =	simm.s32 $0x9;
	_ =	strace $0x80000048  }
0xb5: {  	_ =	swait.ge [sflag:s29], $0x1  }
0xb6: {  	[sflag:s29] =	ssyncadd.s32 $0xFFFFFFFF  }
0xb7: {  	_ =	strace $0x90000048  }
0xb8: {  	_ =	sfence  }
0xb9: {  	s30 =	sld [smem:$0x0];
	_ =	sdelay $0x2  }
0xba: {  	s31 =	sshll.u32 s1, $0xD;
	s1 =	sshrl.u32 s1, $0x2  }
0xbb: {  	s3 =	sand.u32 $0x4000, s31;
	s1 =	sadd.s32 s1, s30  }
0xbc: {  	s0 =	sor.u32 s3, s0;
	s1 =	sshll.u32 s1, $0x11  }
0xbd: {  	s0 =	sor.u32 s1, s0  }
0xbe: {  	s0 =	sadd.s32 $0x8F2B, s0  }
0xbf: {  	[sflag:s0] =	ssyncadd.remote.s32 $0x1  }
0xc0: {  	_ =	sfence.sel $0xFFFF  }
0xc1: {  	[dreg:$0x0] =	wrdreg $0xFFFFFFFF;
	(pc) =	sbr.abs _section_cstart, $3  }
0xc2: {  	[dreg:$0x1] =	wrdreg $0xFFFFFFFF  }
0xc3: {  	_ =	task.clear_ibuf [dreg:s8], $0x2FFFF;
	_ =	strace $0x9FFFFFFF  }
0xc4: {  	(tm) =	ssettm $0x7FFFFFFF  }
0xc5: {  	_ =	shalt  }
tec
execute0_lowered:
.L_overlay_start_1:
0x0: {  	(tag) =	ssettag $0x1  }
0x1: {  	s1 =	rddreg [dreg:$0x0]  }
0x2: {  	s0 =	rddreg [dreg:$0x1]  }
0x3: {  	s3 =	simm.s32 $0x0;
	s2 =	srdreg.scid;
	s6 =	stileid.u32  }
0x4: {  	[smem:$0x7FF] =	sst s3;
	s2 =	sand.u32 $0x1, s2;
	s30 =	sshll.u32 s6, $0x15  }
0x5: {  	s6 =	sshll.u32 s6, $0x13;
	_ =	strace $0x80000047;
	s4 =	sshll.u32 s2, $0x4  }
0x6: {  	s5 =	ssub.s32 $0x2, s2;
	s9 =	sshll.u32 s2, $0xF;
	s8 =	sor.u32 $0x10000, s30  }
0x7: {  	s2 =	sshll.u32 s2, $0xD;
	s28 =	sor.u32 $0x20000, s30;
	s0 =	sadd.s32 s4, s0  }
0x8: {  	s29 =	sshrl.u32 s5, $0x1;
	s7 =	sor.u32 s9, s30;
	s10 =	sor.u32 $0x2000, s9  }
0x9: {  	s11 =	sor.u32 $0x4000, s9;
	[dreg:$0x4] =	wrdreg s9;
	s18 =	sor.u32 s9, s8  }
0xa: {  	s26 =	sor.u32 s2, s6;
	[dreg:$0x12] =	wrdreg s28;
	s4 =	ssub.s32 s5, s29  }
0xb: {  	s0 =	sadd.s32 $0x400, s0;
	s12 =	sshrl.u32 s7, $0x3;
	[dreg:$0x5] =	wrdreg s10  }
0xc: {  	s13 =	sor.u32 s30, s10;
	s15 =	sor.u32 s30, s11;
	[dreg:$0x8] =	wrdreg s11  }
0xd: {  	s19 =	sshrl.u32 s18, $0x3;
	s20 =	sor.u32 s10, s8;
	[dreg:$0x11] =	wrdreg s26  }
0xe: {  	s22 =	sor.u32 s11, s8;
	s29 =	sor.u32 $0x30000, s30;
	[dreg:$0x6] =	wrdreg s0  }
0xf: {  	s0 =	sadd.s32 s1, s12;
	s14 =	sshrl.u32 s13, $0x3;
	[dreg:$0x14] =	wrdreg s29  }
0x10: {  	s12 =	sor.u32 $0x6000, s9;
	s21 =	sshrl.u32 s20, $0x3;
	[dreg:$0x7] =	wrdreg s0  }
0x11: {  	s0 =	sadd.s32 s1, s14;
	s16 =	sor.u32 s30, s12;
	[dreg:$0xa] =	wrdreg s12  }
0x12: {  	s30 =	smax.u32 s4, $0x1;
	[dreg:$0x9] =	wrdreg s0;
	s0 =	sshrl.u32 s15, $0x3  }
0x13: {  	s17 =	sshrl.u32 s16, $0x3;
	[dreg:$0x15] =	wrdreg s30;
	s0 =	sadd.s32 s1, s0  }
0x14: {  	s23 =	sshrl.u32 s22, $0x3;
	[dreg:$0xb] =	wrdreg s0;
	s0 =	sadd.s32 s1, s17  }
0x15: {  	s24 =	sor.u32 s12, s8;
	[dreg:$0xc] =	wrdreg s0;
	s0 =	sadd.s32 s1, s19  }
.Ltmp0:
0x16: {  	[dreg:$0xd] =	wrdreg s0;
	s0 =	sadd.s32 s1, s21;
	(pc) =	sbr.rel .LBB2_1-.Ltmp0, $4  }
0x17: {  	s25 =	sshrl.u32 s24, $0x3;
	[dreg:$0xe] =	wrdreg s0;
	s0 =	sadd.s32 s1, s23  }
0x18: {  	[dreg:$0xf] =	wrdreg s0;
	s0 =	sadd.s32 s1, s25  }
0x19: {  	s31 =	simm.s32 $0x8400;
	[dreg:$0x10] =	wrdreg s0;
	s0 =	sor.u32 $0x4000, s26  }
0x1a: {  	s4 =	simm.s32 $0x0;
	s26 =	simm.s32 $0x400;
	[dreg:$0x13] =	wrdreg s0  }
.LBB2_8:
0x1b: {  	s0 =	simm.s32 $0x9  }
0x1c: {  	_ =	swait.ge [sflag:s0], $0x2000  }
0x1d: {  	[sflag:s0] =	ssyncset.done $0x0  }
0x1e: {  	s2 =	simm.s32 $0xA;
	[sflag:s0] =	ssyncadd.s32 $0xFFFFE000  }
0x1f: {  	_ =	swait.ge [sflag:s2], $0x2000  }
0x20: {  	s4 =	rddreg [dreg:$0x16]  }
0x21: {  	s30 =	rddreg [dreg:$0x15];
	s4 =	sadd.s32 $0x1, s4  }
0x22: {  	p0 =	sne.s32 s4, s30  }
.Ltmp1:
0x23: {  	_ = 	snop;
	(pc) =	sbr.rel @!p0 .LBB2_9-.Ltmp1, $3  }
0x24: {  	_ =	sdelay $0x1  }
0x25: {  	[sflag:s2] =	ssyncset.done $0x0  }
0x26: {  	[sflag:s2] =	ssyncadd.s32 $0xFFFFE000  }
.LBB2_1:
0x27: {  	[dreg:$0x16] =	wrdreg s4  }
0x28: {  	s0 =	rddreg [dreg:$0x6]  }
0x29: {  	s2 =	simm.s32 $0x80;
	s13 =	simm.s32 $0x100;
	s14 =	simm.s32 $0xB  }
0x2a: {  	[tilespmem:s3], [sflag:$0xB] =	stream.strided.gather [hbm4b:s0+s2], $0x400, s13, s2, $0x38;
	[tilespmem:$0x14400] =	vst v63  }
0x2b: {  	_ =	swait.ge [sflag:s14], $0x400  }
0x2c: {  	[sflag:s14] =	ssyncset.done $0x0  }
0x2d: {  	s15 =	rddreg [dreg:$0x7];
	[sflag:s14] =	ssyncadd.s32 $0xFFFFFC00  }
0x2e: {  	[tilespmem:s26], [sflag:$0x1] =	stream.linear.gather [hbm4b:s15+s3], $0x2000, $0x38;
	[tilespmem:$0x14400] =	vst v63  }
0x2f: {  	s17 =	simm.s32 $0x2400;
	s16 =	rddreg [dreg:$0x9]  }
0x30: {  	[tilespmem:s17], [sflag:$0x2] =	stream.linear.gather [hbm4b:s16+s3], $0x2000, $0x38;
	[tilespmem:$0x14400] =	vst v63  }
0x31: {  	s19 =	simm.s32 $0x4400;
	s18 =	rddreg [dreg:$0xb]  }
0x32: {  	[tilespmem:s19], [sflag:$0x3] =	stream.linear.gather [hbm4b:s18+s3], $0x2000, $0x38;
	[tilespmem:$0x14400] =	vst v63  }
0x33: {  	s21 =	simm.s32 $0x6400;
	s20 =	rddreg [dreg:$0xc]  }
0x34: {  	[tilespmem:s21], [sflag:$0x4] =	stream.linear.gather [hbm4b:s20+s3], $0x2000, $0x38;
	[tilespmem:$0x14400] =	vst v63  }
0x35: {  	s22 =	rddreg [dreg:$0xd]  }
0x36: {  	[tilespmem:s31], [sflag:$0x5] =	stream.linear.gather [hbm4b:s22+s3], $0x2000, $0x38;
	[tilespmem:$0x14400] =	vst v63  }
0x37: {  	s24 =	simm.s32 $0xA400;
	s23 =	rddreg [dreg:$0xe]  }
0x38: {  	[tilespmem:s24], [sflag:$0x6] =	stream.linear.gather [hbm4b:s23+s3], $0x2000, $0x38;
	[tilespmem:$0x14400] =	vst v63  }
0x39: {  	s28 =	simm.s32 $0xC400;
	s25 =	rddreg [dreg:$0xf]  }
0x3a: {  	[tilespmem:s28], [sflag:$0x7] =	stream.linear.gather [hbm4b:s25+s3], $0x2000, $0x38;
	[tilespmem:$0x14400] =	vst v63  }
0x3b: {  	s30 =	simm.s32 $0xE400;
	s29 =	rddreg [dreg:$0x10];
	s22 =	simm.s32 $0x0  }
0x3c: {  	[tilespmem:s30], [sflag:$0x8] =	stream.linear.gather [hbm4b:s29+s3], $0x2000, $0x38;
	[tilespmem:$0x14400] =	vst v63  }
.LBB2_2:
0x3d: {  	s0 =	simm.s32 $0x1  }
0x3e: {  	_ =	swait.ge [sflag:s0], $0x2000  }
0x3f: {  	[sflag:s0] =	ssyncset.done $0x0  }
0x40: {  	s9 =	simm.s32 $0x2;
	[sflag:s0] =	ssyncadd.s32 $0xFFFFE000  }
0x41: {  	_ =	swait.ge [sflag:s9], $0x2000  }
0x42: {  	[sflag:s9] =	ssyncset.done $0x0  }
0x43: {  	s10 =	simm.s32 $0x3;
	[sflag:s9] =	ssyncadd.s32 $0xFFFFE000  }
0x44: {  	_ =	swait.ge [sflag:s10], $0x2000  }
0x45: {  	[sflag:s10] =	ssyncset.done $0x0  }
0x46: {  	s11 =	simm.s32 $0x4;
	[sflag:s10] =	ssyncadd.s32 $0xFFFFE000  }
0x47: {  	_ =	swait.ge [sflag:s11], $0x2000  }
0x48: {  	p0 =	seq.s32 s22, $0x0;
	[sflag:s11] =	ssyncset.done $0x0  }
0x49: {  	s2 =	simm.s32 @!p0 $0x9;
	s0 =	simm.s32 $0x0;
	[sflag:s11] =	ssyncadd.s32 $0xFFFFE000  }
0x4a: {  	s4 =	sand.u32 $0x40, s0;
	_ =	swait.ge @!p0 [sflag:s2], $0x2000  }
0x4b: {  	s5 =	sand.u32 $0x380, s0;
	s6 =	sor.u32 $0x30, s4;
	[sflag:s2] =	ssyncset.done @!p0 $0x0  }
0x4c: {  	s12 =	sor.u32 s6, s5;
	[sflag:s2] =	ssyncadd.s32 @!p0 $0xFFFFE000  }
0x4d: {  	v0 =	vld [tilespmem:s12+$0x0]  }
0x4e: {  	s7 =	sor.u32 $0x10, s4;
	v1 =	vld [tilespmem:s0+$0x0]  }
0x4f: {  	s8 =	sor.u32 $0x20, s4;
	s13 =	sor.u32 s7, s5  }
0x50: {  	s5 =	sor.u32 s8, s5;
	v2 =	vld [tilespmem:s13+$0x0]  }
0x51: {  	v3 =	vld [tilespmem:s5+$0x0]  }
0x52: {  	v4 =	vshll.u32 v0, $0x3  }
0x53: {  	v5 =	vshll.u32 v1, $0x3;
	v0 =	vand.u32 $0x7F, v0;
	v4 =	vand.u32 $0xFFFFFC00, v4  }
0x54: {  	v1 =	vand.u32 $0x7F, v1;
	v6 =	vand.u32 $0xFFFFFC00, v5;
	v5 =	vor.u32 v0, v4  }
0x55: {  	v0 =	vor.u32 v1, v6;
	v1 =	vshll.u32 v2, $0x3  }
0x56: {  	v4 =	vshll.u32 v3, $0x3;
	v2 =	vand.u32 $0x7F, v2;
	v1 =	vand.u32 $0xFFFFFC00, v1  }
0x57: {  	v6 =	vand.u32 $0xFFFFFC00, v4;
	v4 =	vor.u32 v2, v1;
	v1 =	vand.u32 $0x7F, v3  }
0x58: {  	v3 =	vor.u32 v1, v6  }
0x59: {  	v1 =	vld.idx.msk [tilespmem:v5+s26+$0x0], $0xffff  }
0x5a: {  	v6 =	vor.u32 $0x80, v5;
	v2 =	vld.idx.msk [tilespmem:v0+s26+$0x0], $0xffff  }
0x5b: {  	s14 =	sand.u32 $0x1C00, s0;
	v7 =	vor.u32 $0x80, v0  }
0x5c: {  	s15 =	sadd.s32 $0x10400, s14;
	v8 =	vld.idx.msk [tilespmem:v4+s26+$0x0], $0xffff  }
0x5d: {  	s9 =	sor.u32 s6, s15;
	v9 =	vor.u32 $0x80, v4;
	v10 =	vld.idx.msk [tilespmem:v3+s26+$0x0], $0xffff  }
0x5e: {  	s2 =	sor.u32 s4, s15;
	v11 =	vor.u32 $0x80, v3;
	[tilespmem:s9+$0x0] =	vst v1  }
0x5f: {  	[tilespmem:s2+$0x0] =	vst v2;
	v1 =	vld.idx.msk [tilespmem:v6+s26+$0x0], $0xffff  }
0x60: {  	s16 =	sor.u32 s7, s15;
	v2 =	vld.idx.msk [tilespmem:v7+s26+$0x0], $0xffff;
	v6 =	vor.u32 $0x100, v5  }
0x61: {  	s17 =	sor.u32 s8, s15;
	v7 =	vor.u32 $0x100, v0;
	[tilespmem:s16+$0x0] =	vst v8  }
0x62: {  	v8 =	vld.idx.msk [tilespmem:v9+s26+$0x0], $0xffff;
	[tilespmem:s17+$0x0] =	vst v10  }
0x63: {  	v9 =	vor.u32 $0x100, v4;
	v10 =	vld.idx.msk [tilespmem:v11+s26+$0x0], $0xffff  }
0x64: {  	v11 =	vor.u32 $0x100, v3;
	[tilespmem:s9+$0x80] =	vst v1  }
0x65: {  	[tilespmem:s2+$0x80] =	vst v2;
	v1 =	vld.idx.msk [tilespmem:v6+s26+$0x0], $0xffff  }
0x66: {  	v2 =	vld.idx.msk [tilespmem:v7+s26+$0x0], $0xffff;
	v6 =	vor.u32 $0x180, v5  }
0x67: {  	v7 =	vor.u32 $0x180, v0;
	[tilespmem:s16+$0x80] =	vst v8  }
0x68: {  	v8 =	vld.idx.msk [tilespmem:v9+s26+$0x0], $0xffff;
	[tilespmem:s17+$0x80] =	vst v10  }
0x69: {  	s15 =	simm.s32 $0x40;
	v9 =	vor.u32 $0x180, v4;
	v10 =	vld.idx.msk [tilespmem:v11+s26+$0x0], $0xffff  }
0x6a: {  	s18 =	sand.u32 $0x40, s15;
	v11 =	vld [tilespmem:s15+$0x0];
	[tilespmem:s9+$0x100] =	vst v1  }
0x6b: {  	s19 =	sand.u32 $0x380, s15;
	s13 =	sor.u32 $0x30, s18;
	[tilespmem:s2+$0x100] =	vst v2;
	v1 =	vld.idx.msk [tilespmem:v6+s26+$0x0], $0xffff  }
0x6c: {  	s10 =	sor.u32 s13, s19;
	v2 =	vor.u32 $0x180, v3;
	v6 =	vld.idx.msk [tilespmem:v7+s26+$0x0], $0xffff  }
0x6d: {  	s20 =	sor.u32 $0x10, s18;
	v7 =	vor.u32 $0x200, v5;
	[tilespmem:s16+$0x100] =	vst v8;
	v8 =	vld [tilespmem:s10+$0x0]  }
0x6e: {  	s21 =	sor.u32 $0x20, s18;
	s12 =	sor.u32 s20, s19;
	v9 =	vld.idx.msk [tilespmem:v9+s26+$0x0], $0xffff  }
0x6f: {  	s8 =	sor.u32 s21, s19;
	v13 =	vld [tilespmem:s12+$0x0];
	v12 =	vor.u32 $0x200, v4;
	v14 =	vshll.u32 v11, $0x3  }
0x70: {  	v15 =	vld [tilespmem:s8+$0x0];
	[tilespmem:s17+$0x100] =	vst v10;
	v10 =	vor.u32 $0x200, v0;
	v11 =	vand.u32 $0x7F, v11;
	v14 =	vand.u32 $0xFFFFFC00, v14  }
0x71: {  	p1 =	por $0x0, $0x0;
	s8 =	simm.s32 $0x1;
	v16 =	vld.idx.msk [tilespmem:v2+s26+$0x0], $0xffff;
	[tilespmem:s9+$0x180] =	vst v1;
	v1 =	vor.u32 v11, v14  }
0x72: {  	s8 =	simm.s32 @!p1 $0x0;
	v11 =	vor.u32 $0x200, v3;
	v7 =	vld.idx.msk [tilespmem:v7+s26+$0x0], $0xffff;
	v2 =	vshll.u32 v8, $0x3  }
0x73: {  	s23 =	sshll.u32 s8, $0x6;
	v8 =	vand.u32 $0x7F, v8;
	[tilespmem:s16+$0x180] =	vst v9;
	v2 =	vand.u32 $0xFFFFFC00, v2;
	v9 =	vor.u32 $0x280, v5  }
0x74: {  	v14 =	vor.u32 $0x280, v4;
	[tilespmem:s2+$0x180] =	vst v6;
	s2 =	sadd.s32 $0x0, s23;
	v6 =	vld.idx.msk [tilespmem:v12+s26+$0x0], $0xffff;
	v12 =	vshll.u32 v13, $0x3;
	v2 =	vor.u32 v8, v2  }
0x75: {  	s4 =	sadd.s32 $0x30, s2;
	v8 =	vld.idx.msk [tilespmem:v10+s26+$0x0], $0xffff;
	v10 =	vshll.u32 v15, $0x3;
	v13 =	vand.u32 $0x7F, v13;
	v12 =	vand.u32 $0xFFFFFC00, v12  }
0x76: {  	s24 =	sor.u32 $0x200, s4;
	v10 =	vand.u32 $0xFFFFFC00, v10;
	[tilespmem:s17+$0x180] =	vst v16;
	v17 =	vld.idx.msk [tilespmem:v1+s26+$0x0], $0xffff;
	v21 =	vor.u32 v13, v12;
	v12 =	vand.u32 $0x7F, v15  }
0x77: {  	s8 =	sadd.s32 $0x10, s2;
	v11 =	vld.idx.msk [tilespmem:v11+s26+$0x0], $0xffff;
	v10 =	vor.u32 v12, v10;
	[tilespmem:s24+$0x10400] =	vst v7  }
0x78: {  	s25 =	sor.u32 $0x200, s8;
	v7 =	vor.u32 $0x280, v0;
	v9 =	vld.idx.msk [tilespmem:v9+s26+$0x0], $0xffff  }
0x79: {  	s28 =	sor.u32 $0x200, s2;
	s17 =	simm.s32 $0x200;
	v12 =	vor.u32 $0x280, v3;
	v13 =	vld.idx.msk [tilespmem:v2+s26+$0x0], $0xffff;
	[tilespmem:s25+$0x10400] =	vst v6  }
0x7a: {  	s12 =	sadd.s32 $0x20, s2;
	s30 =	sand.u32 $0x1C00, s17;
	[tilespmem:s28+$0x10400] =	vst v8;
	v8 =	vor.u32 $0x80, v1;
	v6 =	vld.idx.msk [tilespmem:v14+s26+$0x0], $0xffff  }
0x7b: {  	s29 =	sor.u32 $0x200, s12;
	s6 =	sadd.s32 $0x10400, s30;
	v14 =	vor.u32 $0x300, v5;
	v15 =	vld.idx.msk [tilespmem:v21+s26+$0x0], $0xffff  }
0x7c: {  	v16 =	vor.u32 $0x80, v2;
	s19 =	sor.u32 s18, s6;
	[tilespmem:s29+$0x10400] =	vst v11;
	v18 =	vld.idx.msk [tilespmem:v10+s26+$0x0], $0xffff  }
0x7d: {  	s11 =	sor.u32 $0x280, s4;
	v19 =	vor.u32 $0x80, v21;
	[tilespmem:s19+$0x0] =	vst v17;
	v7 =	vld.idx.msk [tilespmem:v7+s26+$0x0], $0xffff  }
0x7e: {  	s24 =	sor.u32 s13, s6;
	v11 =	vor.u32 $0x80, v10;
	v12 =	vld.idx.msk [tilespmem:v12+s26+$0x0], $0xffff;
	[tilespmem:s11+$0x10400] =	vst v9  }
0x7f: {  	s14 =	sor.u32 $0x280, s8;
	v9 =	vor.u32 $0x300, v4;
	[tilespmem:s24+$0x0] =	vst v13;
	v8 =	vld.idx.msk [tilespmem:v8+s26+$0x0], $0xffff  }
0x80: {  	s18 =	sor.u32 s20, s6;
	v13 =	vld.idx.msk [tilespmem:v14+s26+$0x0], $0xffff;
	v14 =	vor.u32 $0x300, v3;
	[tilespmem:s14+$0x10400] =	vst v6  }
0x81: {  	s7 =	sor.u32 s21, s6;
	v5 =	vor.u32 $0x380, v5;
	v16 =	vld.idx.msk [tilespmem:v16+s26+$0x0], $0xffff;
	[tilespmem:s18+$0x0] =	vst v15  }
0x82: {  	s16 =	sor.u32 $0x280, s12;
	v17 =	vor.u32 $0x100, v2;
	v15 =	vld.idx.msk [tilespmem:v19+s26+$0x0], $0xffff;
	[tilespmem:s7+$0x0] =	vst v18  }
0x83: {  	v19 =	vor.u32 $0x100, v1;
	[tilespmem:s16+$0x10400] =	vst v12;
	v20 =	vld.idx.msk [tilespmem:v11+s26+$0x0], $0xffff  }
0x84: {  	s20 =	sor.u32 $0x300, s4;
	v6 =	vor.u32 $0x100, v21;
	v22 =	vld.idx.msk [tilespmem:v9+s26+$0x0], $0xffff;
	[tilespmem:s19+$0x80] =	vst v8  }
0x85: {  	v23 =	vor.u32 $0x100, v10;
	v14 =	vld.idx.msk [tilespmem:v14+s26+$0x0], $0xffff;
	[tilespmem:s20+$0x10400] =	vst v13  }
0x86: {  	[tilespmem:s24+$0x80] =	vst v16;
	v16 =	vor.u32 $0x300, v0;
	v24 =	vld.idx.msk [tilespmem:v5+s26+$0x0], $0xffff  }
0x87: {  	v25 =	vor.u32 $0x380, v4;
	v18 =	vld.idx.msk [tilespmem:v17+s26+$0x0], $0xffff;
	[tilespmem:s18+$0x80] =	vst v15  }
0x88: {  	s0 =	sor.u32 s0, s0;
	s28 =	sor.u32 $0x300, s8;
	v4 =	vor.u32 $0x380, v21;
	v17 =	vld.idx.msk [tilespmem:v19+s26+$0x0], $0xffff;
	[tilespmem:s7+$0x80] =	vst v20  }
0x89: {  	s23 =	simm.s32 $0x4;
	s30 =	sor.u32 $0x380, s4;
	s21 =	sor.u32 $0x280, s2;
	v11 =	vor.u32 $0x200, v21;
	v8 =	vor.u32 $0x280, v21;
	v19 =	vld.idx.msk [tilespmem:v6+s26+$0x0], $0xffff;
	[tilespmem:s28+$0x10400] =	vst v22;
	v22 =	vor.u32 $0x180, v2  }
0x8a: {  	s2 =	sor.u32 $0x300, s2;
	s4 =	sor.u32 $0x380, s12;
	s25 =	sshll.u32 s22, $0x11;
	[tilespmem:s21+$0x10400] =	vst v7;
	v13 =	vor.u32 $0x180, v21;
	v6 =	vor.u32 $0x300, v21;
	v21 =	vor.u32 $0x180, v1;
	v20 =	vld.idx.msk [tilespmem:v23+s26+$0x0], $0xffff  }
0x8b: {  	s29 =	sor.u32 s17, s15;
	v3 =	vor.u32 $0x380, v3;
	s14 =	simm.s32 $0x80;
	s16 =	sor.u32 $0x380, s0;
	v12 =	vor.u32 $0x180, v10;
	v7 =	vor.u32 $0x280, v10;
	v15 =	vld.idx.msk [tilespmem:v16+s26+$0x0], $0xffff  }
0x8c: {  	s21 =	sor.u32 $0x380, s8;
	s0 =	sor.u32 $0x380, s29;
	v9 =	vor.u32 $0x200, v10;
	s20 =	sor.u32 $0x300, s12;
	v5 =	vor.u32 $0x300, v10;
	v10 =	vor.u32 $0x380, v10;
	v16 =	vld.idx.msk [tilespmem:v25+s26+$0x0], $0xffff;
	[tilespmem:s30+$0x10400] =	vst v24  }
.LBB2_3:
0x8d: {  	v23 =	vld [tilespmem:s14+$0x0];
	[tilespmem:s24+$0x100] =	vst v18;
	s15 =	sadd.s32 $0x40, s15  }
0x8e: {  	s23 =	sadd.s32 $0x4, s23;
	s28 =	sand.u32 $0x40, s15;
	[tilespmem:s19+$0x100] =	vst v17;
	v17 =	vld.idx.msk [tilespmem:v22+s26+$0x0], $0xffff  }
0x8f: {  	s5 =	sand.u32 $0x380, s15;
	p2 =	slt.u32 s23, $0x3C;
	s29 =	sor.u32 $0x30, s28;
	v18 =	vld.idx.msk [tilespmem:v21+s26+$0x0], $0xffff;
	[tilespmem:s18+$0x100] =	vst v19  }
0x90: {  	s8 =	sor.u32 $0x10, s28;
	s30 =	sor.u32 $0x20, s28;
	v19 =	vor.u32 $0x200, v2;
	s6 =	sor.u32 s29, s5;
	v13 =	vld.idx.msk [tilespmem:v13+s26+$0x0], $0xffff;
	[tilespmem:s7+$0x100] =	vst v20  }
0x91: {  	v21 =	vor.u32 $0x200, v1;
	s9 =	sor.u32 s8, s5;
	s5 =	sor.u32 s30, s5;
	v20 =	vld [tilespmem:s6+$0x0];
	[tilespmem:s20+$0x10400] =	vst v14  }
0x92: {  	v14 =	vld [tilespmem:s9+$0x0];
	[tilespmem:s2+$0x10400] =	vst v15  }
0x93: {  	v15 =	vshll.u32 v23, $0x3;
	v22 =	vld [tilespmem:s5+$0x0];
	[tilespmem:s21+$0x10400] =	vst v16  }
0x94: {  	v16 =	vand.u32 $0x7F, v23;
	v15 =	vand.u32 $0xFFFFFC00, v15;
	v12 =	vld.idx.msk [tilespmem:v12+s26+$0x0], $0xffff;
	[tilespmem:s24+$0x180] =	vst v17;
	v17 =	vor.u32 $0x380, v0;
	v0 =	vmovc v1  }
0x95: {  	p1 =	por !p1, !p1;
	s2 =	simm.s32 $0x1;
	v1 =	vor.u32 v16, v15;
	[tilespmem:s19+$0x180] =	vst v18;
	v15 =	vld.idx.msk [tilespmem:v19+s26+$0x0], $0xffff  }
0x96: {  	s2 =	simm.s32 @!p1 $0x0;
	v16 =	vshll.u32 v20, $0x3;
	v18 =	vld.idx.msk [tilespmem:v21+s26+$0x0], $0xffff;
	[tilespmem:s18+$0x180] =	vst v13  }
0x97: {  	s2 =	sshll.u32 s2, $0x6;
	v13 =	vand.u32 $0x7F, v20;
	v16 =	vand.u32 $0xFFFFFC00, v16;
	v19 =	vld.idx.msk [tilespmem:v11+s26+$0x0], $0xffff;
	v11 =	vor.u32 $0x280, v2  }
0x98: {  	s2 =	sadd.s32 s2, s17;
	v20 =	vshll.u32 v14, $0x3;
	v21 =	vshll.u32 v22, $0x3;
	v16 =	vor.u32 v13, v16;
	v23 =	vld.idx.msk [tilespmem:v3+s26+$0x0], $0xffff;
	v3 =	vmovc v10  }
0x99: {  	s9 =	sadd.s32 $0x10, s2;
	s18 =	sadd.s32 $0x20, s2;
	s10 =	sadd.s32 $0x30, s2;
	v10 =	vand.u32 $0x7F, v14;
	v13 =	vand.u32 $0xFFFFFC00, v20;
	v14 =	vand.u32 $0xFFFFFC00, v21;
	v17 =	vld.idx.msk [tilespmem:v17+s26+$0x0], $0xffff  }
0x9a: {  	s19 =	sor.u32 $0x200, s9;
	s12 =	sor.u32 $0x200, s10;
	v10 =	vor.u32 v10, v13;
	v13 =	vand.u32 $0x7F, v22;
	v21 =	vor.u32 $0x280, v0;
	v20 =	vld.idx.msk [tilespmem:v1+s26+$0x0], $0xffff;
	[tilespmem:s7+$0x180] =	vst v12;
	s7 =	sor.u32 $0x200, s18  }
0x9b: {  	s13 =	sor.u32 $0x200, s2;
	s6 =	sor.u32 $0x280, s9;
	s5 =	sor.u32 $0x280, s18;
	v22 =	vor.u32 $0x80, v10;
	v24 =	vor.u32 $0x100, v10;
	v14 =	vor.u32 v13, v14;
	v25 =	vld.idx.msk [tilespmem:v9+s26+$0x0], $0xffff;
	[tilespmem:s12+$0x10400] =	vst v15  }
0x9c: {  	s20 =	sor.u32 $0x300, s18;
	v13 =	vor.u32 $0x180, v10;
	v15 =	vor.u32 $0x80, v14;
	v26 =	vor.u32 $0x100, v14;
	s12 =	sor.u32 $0x300, s9;
	[tilespmem:s13+$0x10400] =	vst v18;
	s13 =	sor.u32 $0x280, s2;
	v18 =	vld.idx.msk [tilespmem:v11+s26+$0x0], $0xffff  }
0x9d: {  	s21 =	sor.u32 $0x380, s9;
	v12 =	vor.u32 $0x180, v14;
	v9 =	vor.u32 $0x200, v14;
	s9 =	sor.u32 $0x380, s18;
	v11 =	vor.u32 $0x200, v10;
	s2 =	sor.u32 $0x300, s2;
	v27 =	vld.idx.msk [tilespmem:v16+s26+$0x0], $0xffff;
	[tilespmem:s19+$0x10400] =	vst v19  }
0x9e: {  	v29 =	vor.u32 $0x300, v2;
	v19 =	vor.u32 $0x280, v14;
	v28 =	vld.idx.msk [tilespmem:v8+s26+$0x0], $0xffff;
	v8 =	vor.u32 $0x280, v10;
	[tilespmem:s4+$0x10400] =	vst v23;
	s4 =	smov.u32 s9  }
0x9f: {  	s17 =	sadd.s32 $0x200, s17;
	v32 =	vor.u32 $0x80, v16;
	v30 =	vor.u32 $0x300, v10;
	v31 =	vor.u32 $0x300, v14;
	v23 =	vld.idx.msk [tilespmem:v10+s26+$0x0], $0xffff;
	[tilespmem:s16+$0x10400] =	vst v17;
	s16 =	smov.u32 s0  }
0xa0: {  	v33 =	vor.u32 $0x380, v10;
	s9 =	sor.u32 s17, s15;
	s0 =	sand.u32 $0x1C00, s17;
	v17 =	vor.u32 $0x80, v1;
	v10 =	vor.u32 $0x380, v14;
	v34 =	vld.idx.msk [tilespmem:v14+s26+$0x0], $0xffff  }
0xa1: {  	s11 =	sadd.s32 $0x10400, s0;
	s0 =	sor.u32 $0x380, s9;
	v35 =	vld.idx.msk [tilespmem:v21+s26+$0x0], $0xffff;
	[tilespmem:s7+$0x10400] =	vst v25;
	s7 =	sor.u32 $0x280, s10  }
0xa2: {  	s19 =	sor.u32 s28, s11;
	s18 =	sor.u32 s8, s11;
	s24 =	sor.u32 s29, s11;
	v14 =	vld.idx.msk [tilespmem:v7+s26+$0x0], $0xffff;
	[tilespmem:s7+$0x10400] =	vst v18;
	v7 =	vmov v19  }
0xa3: {  	s7 =	sor.u32 s30, s11;
	[tilespmem:s24+$0x0] =	vst v27;
	v18 =	vld.idx.msk [tilespmem:v29+s26+$0x0], $0xffff  }
0xa4: {  	[tilespmem:s19+$0x0] =	vst v20;
	v19 =	vld.idx.msk [tilespmem:v32+s26+$0x0], $0xffff  }
0xa5: {  	v20 =	vor.u32 $0x380, v2;
	v2 =	vmov v16;
	v17 =	vld.idx.msk [tilespmem:v17+s26+$0x0], $0xffff;
	[tilespmem:s18+$0x0] =	vst v23  }
0xa6: {  	v21 =	vor.u32 $0x100, v2;
	v16 =	vld.idx.msk [tilespmem:v22+s26+$0x0], $0xffff;
	[tilespmem:s7+$0x0] =	vst v34  }
0xa7: {  	v22 =	vor.u32 $0x100, v1;
	v15 =	vld.idx.msk [tilespmem:v15+s26+$0x0], $0xffff;
	[tilespmem:s6+$0x10400] =	vst v28  }
0xa8: {  	v23 =	vld.idx.msk [tilespmem:v6+s26+$0x0], $0xffff;
	[tilespmem:s5+$0x10400] =	vst v14;
	s5 =	sor.u32 $0x300, s10;
	v6 =	vmov v30  }
0xa9: {  	v14 =	vld.idx.msk [tilespmem:v5+s26+$0x0], $0xffff;
	[tilespmem:s5+$0x10400] =	vst v18;
	v5 =	vmov v31  }
0xaa: {  	v25 =	vor.u32 $0x300, v0;
	[tilespmem:s24+$0x80] =	vst v19;
	v27 =	vld.idx.msk [tilespmem:v20+s26+$0x0], $0xffff  }
0xab: {  	[tilespmem:s19+$0x80] =	vst v17;
	v18 =	vld.idx.msk [tilespmem:v21+s26+$0x0], $0xffff  }
.Ltmp2:
0xac: {  	v17 =	vld.idx.msk [tilespmem:v22+s26+$0x0], $0xffff;
	[tilespmem:s18+$0x80] =	vst v16;
	(pc) =	sbr.rel @p2 .LBB2_3-.Ltmp2, $4  }
0xad: {  	v22 =	vor.u32 $0x180, v2;
	v19 =	vld.idx.msk [tilespmem:v24+s26+$0x0], $0xffff;
	[tilespmem:s7+$0x80] =	vst v15  }
0xae: {  	v21 =	vor.u32 $0x180, v1;
	v20 =	vld.idx.msk [tilespmem:v26+s26+$0x0], $0xffff;
	[tilespmem:s13+$0x10400] =	vst v35  }
0xaf: {  	s5 =	sor.u32 $0x380, s10;
	v15 =	vld.idx.msk [tilespmem:v25+s26+$0x0], $0xffff;
	[tilespmem:s12+$0x10400] =	vst v23  }
0xb0: {  	s14 =	sadd.s32 $0x40, s14;
	v16 =	vld.idx.msk [tilespmem:v4+s26+$0x0], $0xffff;
	[tilespmem:s5+$0x10400] =	vst v27;
	v4 =	vmov v33  }
0xb1: {  	_ =	sdelay $0x2  }
0xb2: {  	[tilespmem:s24+$0x100] =	vst v18  }
0xb3: {  	v18 =	vld.idx.msk [tilespmem:v22+s26+$0x0], $0xffff;
	[tilespmem:s18+$0x100] =	vst v19  }
0xb4: {  	v19 =	vor.u32 $0x200, v2;
	v13 =	vld.idx.msk [tilespmem:v13+s26+$0x0], $0xffff;
	_ =	sdelay $0x1  }
0xb5: {  	[tilespmem:s7+$0x100] =	vst v20  }
0xb6: {  	[tilespmem:s19+$0x100] =	vst v17;
	v12 =	vld.idx.msk [tilespmem:v12+s26+$0x0], $0xffff  }
0xb7: {  	p1 =	por !p1, !p1;
	s5 =	simm.s32 $0x1;
	v17 =	vld.idx.msk [tilespmem:v21+s26+$0x0], $0xffff;
	[tilespmem:s24+$0x180] =	vst v18  }
0xb8: {  	s5 =	simm.s32 @!p1 $0x0;
	v20 =	vor.u32 $0x200, v1;
	v18 =	vld.idx.msk [tilespmem:v19+s26+$0x0], $0xffff;
	[tilespmem:s18+$0x180] =	vst v13  }
0xb9: {  	s5 =	sshll.u32 s5, $0x6;
	v13 =	vor.u32 $0x280, v2;
	v11 =	vld.idx.msk [tilespmem:v11+s26+$0x0], $0xffff  }
0xba: {  	s5 =	sadd.s32 s5, s17  }
0xbb: {  	s6 =	sadd.s32 $0x30, s5;
	[tilespmem:s7+$0x180] =	vst v12  }
0xbc: {  	s14 =	sadd.s32 $0x10, s5;
	s8 =	sor.u32 $0x200, s6;
	[tilespmem:s19+$0x180] =	vst v17;
	v9 =	vld.idx.msk [tilespmem:v9+s26+$0x0], $0xffff  }
0xbd: {  	s10 =	sor.u32 $0x200, s14;
	v12 =	vld.idx.msk [tilespmem:v20+s26+$0x0], $0xffff;
	[tilespmem:s8+$0x10400] =	vst v18  }
0xbe: {  	v17 =	vor.u32 $0x280, v1;
	v13 =	vld.idx.msk [tilespmem:v13+s26+$0x0], $0xffff;
	[tilespmem:s10+$0x10400] =	vst v11  }
0xbf: {  	s9 =	sadd.s32 $0x20, s5;
	v11 =	vor.u32 $0x300, v2;
	v8 =	vld.idx.msk [tilespmem:v8+s26+$0x0], $0xffff  }
0xc0: {  	[tilespmem:s20+$0x10400] =	vst v14;
	s15 =	sor.u32 $0x200, s9  }
0xc1: {  	s17 =	sor.u32 $0x200, s5;
	[tilespmem:s15+$0x10400] =	vst v9  }
0xc2: {  	v0 =	vor.u32 $0x380, v0;
	s18 =	sor.u32 $0x280, s6;
	[tilespmem:s17+$0x10400] =	vst v12;
	v7 =	vld.idx.msk [tilespmem:v7+s26+$0x0], $0xffff  }
0xc3: {  	s19 =	sor.u32 $0x280, s14;
	v9 =	vld.idx.msk [tilespmem:v17+s26+$0x0], $0xffff;
	[tilespmem:s18+$0x10400] =	vst v13  }
0xc4: {  	v12 =	vor.u32 $0x300, v1;
	v11 =	vld.idx.msk [tilespmem:v11+s26+$0x0], $0xffff;
	[tilespmem:s19+$0x10400] =	vst v8  }
0xc5: {  	[tilespmem:s2+$0x10400] =	vst v15;
	v2 =	vor.u32 $0x380, v2;
	v6 =	vld.idx.msk [tilespmem:v6+s26+$0x0], $0xffff  }
0xc6: {  	v3 =	vld.idx.msk [tilespmem:v3+s26+$0x0], $0xffff;
	[tilespmem:s21+$0x10400] =	vst v16;
	s20 =	sor.u32 $0x280, s9  }
0xc7: {  	s23 =	sor.u32 $0x280, s5;
	v0 =	vld.idx.msk [tilespmem:v0+s26+$0x0], $0xffff;
	[tilespmem:s20+$0x10400] =	vst v7  }
0xc8: {  	s24 =	sor.u32 $0x300, s6;
	[tilespmem:s23+$0x10400] =	vst v9;
	v5 =	vld.idx.msk [tilespmem:v5+s26+$0x0], $0xffff  }
0xc9: {  	s29 =	sor.u32 $0x300, s14;
	v7 =	vld.idx.msk [tilespmem:v12+s26+$0x0], $0xffff;
	[tilespmem:s24+$0x10400] =	vst v11  }
0xca: {  	v1 =	vor.u32 $0x380, v1;
	v2 =	vld.idx.msk [tilespmem:v2+s26+$0x0], $0xffff;
	[tilespmem:s29+$0x10400] =	vst v6  }
0xcb: {  	[tilespmem:s4+$0x10400] =	vst v3;
	v4 =	vld.idx.msk [tilespmem:v4+s26+$0x0], $0xffff  }
0xcc: {  	s30 =	sor.u32 $0x300, s9;
	[tilespmem:s16+$0x10400] =	vst v0  }
0xcd: {  	s5 =	sor.u32 $0x300, s5;
	[tilespmem:s30+$0x10400] =	vst v5  }
0xce: {  	s6 =	sor.u32 $0x380, s6;
	[tilespmem:s5+$0x10400] =	vst v7;
	v5 =	vld.idx.msk [tilespmem:v10+s26+$0x0], $0xffff  }
0xcf: {  	s8 =	sor.u32 $0x380, s14;
	v1 =	vld.idx.msk [tilespmem:v1+s26+$0x0], $0xffff;
	[tilespmem:s6+$0x10400] =	vst v2  }
0xd0: {  	[tilespmem:s8+$0x10400] =	vst v4  }
0xd1: {  	s15 =	sshll.u32 s22, $0xF;
	s4 =	rddreg [dreg:$0x11]  }
0xd2: {  	s9 =	sor.u32 $0x380, s9;
	s4 =	sadd.s32 s4, s15  }
0xd3: {  	s11 =	rddreg [dreg:$0x2];
	[tilespmem:s9+$0x10400] =	vst v5;
	s10 =	sshrl.u32 s4, $0x3  }
0xd4: {  	s12 =	simm.s32 $0x10400;
	[tilespmem:s0+$0x10400] =	vst v1;
	s0 =	sadd.s32 s11, s10  }
0xd5: {  	[hbm4b:s0+s3] =	stream.linear.scatter [tilespmem:s12], [sflag:$0x9], $0x2000, $0x38;
	[tilespmem:$0x14400] =	vst v63  }
0xd6: {  	p1 =	seq.s32 s22, $0xF;
	s0 =	rddreg [dreg:$0x12]  }
0xd7: {  	s2 =	rddreg [dreg:$0x4];
	s0 =	sadd.s32 @!p1 s25, s0  }
0xd8: {  	s2 =	sor.u32 @!p1 s2, s0  }
0xd9: {  	s2 =	sshrl.u32 @!p1 s2, $0x3  }
0xda: {  	s5 =	simm.s32 @!p1 $0x400;
	s4 =	simm.s32 @!p1 $0x0;
	s2 =	sadd.s32 @!p1 s1, s2  }
0xdb: {  	[tilespmem:s5], [sflag:$0x1] =	stream.linear.gather @!p1 [hbm4b:s2+s4], $0x2000, $0x38;
	[tilespmem:$0x14400] =	vst v63  }
0xdc: {  	s2 =	rddreg [dreg:$0x5]  }
0xdd: {  	s2 =	sor.u32 @!p1 s2, s0  }
0xde: {  	s2 =	sshrl.u32 @!p1 s2, $0x3  }
0xdf: {  	s5 =	simm.s32 @!p1 $0x2400;
	s2 =	sadd.s32 @!p1 s1, s2  }
0xe0: {  	[tilespmem:s5], [sflag:$0x2] =	stream.linear.gather @!p1 [hbm4b:s2+s4], $0x2000, $0x38;
	[tilespmem:$0x14400] =	vst v63  }
0xe1: {  	s2 =	rddreg [dreg:$0x8]  }
0xe2: {  	s2 =	sor.u32 @!p1 s2, s0  }
0xe3: {  	s2 =	sshrl.u32 @!p1 s2, $0x3  }
0xe4: {  	s5 =	simm.s32 @!p1 $0x4400;
	s2 =	sadd.s32 @!p1 s1, s2  }
0xe5: {  	[tilespmem:s5], [sflag:$0x3] =	stream.linear.gather @!p1 [hbm4b:s2+s4], $0x2000, $0x38;
	[tilespmem:$0x14400] =	vst v63  }
0xe6: {  	s2 =	rddreg [dreg:$0xa]  }
0xe7: {  	s0 =	sor.u32 @!p1 s2, s0  }
0xe8: {  	s0 =	sshrl.u32 @!p1 s0, $0x3  }
0xe9: {  	s13 =	simm.s32 $0x5;
	s2 =	simm.s32 @!p1 $0x6400;
	s0 =	sadd.s32 @!p1 s1, s0  }
0xea: {  	[tilespmem:s2], [sflag:$0x4] =	stream.linear.gather @!p1 [hbm4b:s0+s4], $0x2000, $0x38;
	[tilespmem:$0x14400] =	vst v63  }
0xeb: {  	_ =	swait.ge [sflag:s13], $0x2000  }
0xec: {  	[sflag:s13] =	ssyncset.done $0x0  }
0xed: {  	s14 =	simm.s32 $0x6;
	[sflag:s13] =	ssyncadd.s32 $0xFFFFE000  }
0xee: {  	_ =	swait.ge [sflag:s14], $0x2000  }
0xef: {  	[sflag:s14] =	ssyncset.done $0x0  }
0xf0: {  	s16 =	simm.s32 $0x7;
	[sflag:s14] =	ssyncadd.s32 $0xFFFFE000  }
0xf1: {  	_ =	swait.ge [sflag:s16], $0x2000  }
0xf2: {  	[sflag:s16] =	ssyncset.done $0x0  }
0xf3: {  	s17 =	simm.s32 $0x8;
	[sflag:s16] =	ssyncadd.s32 $0xFFFFE000  }
0xf4: {  	_ =	swait.ge [sflag:s17], $0x2000  }
0xf5: {  	[sflag:s17] =	ssyncset.done $0x0  }
0xf6: {  	s0 =	simm.s32 @!p0 $0xA;
	s2 =	simm.s32 $0x0;
	[sflag:s17] =	ssyncadd.s32 $0xFFFFE000  }
0xf7: {  	s18 =	sand.u32 $0x40, s2;
	_ =	swait.ge @!p0 [sflag:s0], $0x2000  }
0xf8: {  	s19 =	sand.u32 $0x380, s2;
	s20 =	sor.u32 $0x30, s18;
	[sflag:s0] =	ssyncset.done @!p0 $0x0  }
0xf9: {  	s21 =	sor.u32 s20, s19;
	[sflag:s0] =	ssyncadd.s32 @!p0 $0xFFFFE000  }
0xfa: {  	v0 =	vld [tilespmem:s21+$0x0]  }
0xfb: {  	s23 =	sor.u32 $0x10, s18;
	v1 =	vld [tilespmem:s2+$0x0]  }
0xfc: {  	s24 =	sor.u32 $0x20, s18;
	s29 =	sor.u32 s23, s19  }
0xfd: {  	s5 =	sor.u32 s24, s19;
	v2 =	vld [tilespmem:s29+$0x0]  }
0xfe: {  	v3 =	vld [tilespmem:s5+$0x0]  }
0xff: {  	v4 =	vshll.u32 v0, $0x3  }
0x100: {  	v5 =	vshll.u32 v1, $0x3;
	v0 =	vand.u32 $0x7F, v0;
	v4 =	vand.u32 $0xFFFFFC00, v4  }
0x101: {  	v1 =	vand.u32 $0x7F, v1;
	v6 =	vand.u32 $0xFFFFFC00, v5;
	v5 =	vor.u32 v0, v4  }
0x102: {  	v0 =	vor.u32 v1, v6;
	v1 =	vshll.u32 v2, $0x3  }
0x103: {  	v4 =	vshll.u32 v3, $0x3;
	v2 =	vand.u32 $0x7F, v2;
	v1 =	vand.u32 $0xFFFFFC00, v1  }
0x104: {  	v6 =	vand.u32 $0xFFFFFC00, v4;
	v4 =	vor.u32 v2, v1;
	v1 =	vand.u32 $0x7F, v3  }
0x105: {  	v3 =	vor.u32 v1, v6  }
0x106: {  	v1 =	vld.idx.msk [tilespmem:v5+s31+$0x0], $0xffff  }
0x107: {  	v6 =	vor.u32 $0x80, v5;
	v2 =	vld.idx.msk [tilespmem:v0+s31+$0x0], $0xffff  }
0x108: {  	s30 =	sand.u32 $0x1C00, s2;
	v7 =	vor.u32 $0x80, v0  }
0x109: {  	s5 =	sadd.s32 $0x12400, s30;
	v8 =	vld.idx.msk [tilespmem:v4+s31+$0x0], $0xffff  }
0x10a: {  	s6 =	sor.u32 s20, s5;
	v9 =	vor.u32 $0x80, v4;
	v10 =	vld.idx.msk [tilespmem:v3+s31+$0x0], $0xffff  }
0x10b: {  	s4 =	sor.u32 s18, s5;
	v11 =	vor.u32 $0x80, v3;
	[tilespmem:s6+$0x0] =	vst v1  }
0x10c: {  	[tilespmem:s4+$0x0] =	vst v2;
	v1 =	vld.idx.msk [tilespmem:v6+s31+$0x0], $0xffff  }
0x10d: {  	s0 =	sor.u32 s23, s5;
	v2 =	vld.idx.msk [tilespmem:v7+s31+$0x0], $0xffff;
	v6 =	vor.u32 $0x100, v5  }
0x10e: {  	s7 =	sor.u32 s24, s5;
	v7 =	vor.u32 $0x100, v0;
	[tilespmem:s0+$0x0] =	vst v8  }
0x10f: {  	v8 =	vld.idx.msk [tilespmem:v9+s31+$0x0], $0xffff;
	[tilespmem:s7+$0x0] =	vst v10  }
0x110: {  	v9 =	vor.u32 $0x100, v4;
	v10 =	vld.idx.msk [tilespmem:v11+s31+$0x0], $0xffff  }
0x111: {  	v11 =	vor.u32 $0x100, v3;
	[tilespmem:s6+$0x80] =	vst v1  }
0x112: {  	[tilespmem:s4+$0x80] =	vst v2;
	v1 =	vld.idx.msk [tilespmem:v6+s31+$0x0], $0xffff  }
0x113: {  	v2 =	vld.idx.msk [tilespmem:v7+s31+$0x0], $0xffff;
	v6 =	vor.u32 $0x180, v5  }
0x114: {  	v7 =	vor.u32 $0x180, v0;
	[tilespmem:s0+$0x80] =	vst v8  }
0x115: {  	v8 =	vld.idx.msk [tilespmem:v9+s31+$0x0], $0xffff;
	[tilespmem:s7+$0x80] =	vst v10  }
0x116: {  	s16 =	simm.s32 $0x40;
	v9 =	vor.u32 $0x180, v4;
	v10 =	vld.idx.msk [tilespmem:v11+s31+$0x0], $0xffff  }
0x117: {  	s10 =	sand.u32 $0x40, s16;
	v11 =	vld [tilespmem:s16+$0x0];
	[tilespmem:s6+$0x100] =	vst v1  }
0x118: {  	s14 =	sor.u32 $0x30, s10;
	s17 =	sand.u32 $0x380, s16;
	[tilespmem:s4+$0x100] =	vst v2;
	v1 =	vld.idx.msk [tilespmem:v6+s31+$0x0], $0xffff  }
0x119: {  	s18 =	sor.u32 s14, s17;
	v2 =	vor.u32 $0x180, v3;
	v6 =	vld.idx.msk [tilespmem:v7+s31+$0x0], $0xffff  }
0x11a: {  	s19 =	sor.u32 $0x10, s10;
	v7 =	vor.u32 $0x200, v5;
	[tilespmem:s0+$0x100] =	vst v8;
	v8 =	vld [tilespmem:s18+$0x0]  }
0x11b: {  	s12 =	sor.u32 $0x20, s10;
	s20 =	sor.u32 s19, s17;
	v9 =	vld.idx.msk [tilespmem:v9+s31+$0x0], $0xffff  }
0x11c: {  	s5 =	sor.u32 s12, s17;
	v13 =	vld [tilespmem:s20+$0x0];
	v12 =	vor.u32 $0x200, v4;
	v14 =	vshll.u32 v11, $0x3  }
0x11d: {  	v15 =	vld [tilespmem:s5+$0x0];
	[tilespmem:s7+$0x100] =	vst v10;
	v10 =	vor.u32 $0x200, v0;
	v11 =	vand.u32 $0x7F, v11;
	v14 =	vand.u32 $0xFFFFFC00, v14  }
0x11e: {  	p0 =	por $0x0, $0x0;
	s5 =	simm.s32 $0x1;
	v16 =	vld.idx.msk [tilespmem:v2+s31+$0x0], $0xffff;
	[tilespmem:s6+$0x180] =	vst v1;
	v1 =	vor.u32 v11, v14  }
0x11f: {  	s5 =	simm.s32 @!p0 $0x0;
	v11 =	vor.u32 $0x200, v3;
	v7 =	vld.idx.msk [tilespmem:v7+s31+$0x0], $0xffff;
	v2 =	vshll.u32 v8, $0x3  }
0x120: {  	s5 =	sshll.u32 s5, $0x6;
	v8 =	vand.u32 $0x7F, v8;
	[tilespmem:s0+$0x180] =	vst v9;
	v2 =	vand.u32 $0xFFFFFC00, v2;
	v9 =	vor.u32 $0x280, v5  }
0x121: {  	s5 =	sadd.s32 $0x0, s5;
	v14 =	vor.u32 $0x280, v4;
	[tilespmem:s4+$0x180] =	vst v6;
	v6 =	vld.idx.msk [tilespmem:v12+s31+$0x0], $0xffff;
	v12 =	vshll.u32 v13, $0x3;
	v2 =	vor.u32 v8, v2  }
0x122: {  	s4 =	sadd.s32 $0x30, s5;
	v8 =	vld.idx.msk [tilespmem:v10+s31+$0x0], $0xffff;
	v10 =	vshll.u32 v15, $0x3;
	v13 =	vand.u32 $0x7F, v13;
	v12 =	vand.u32 $0xFFFFFC00, v12  }
0x123: {  	s21 =	sor.u32 $0x200, s4;
	v10 =	vand.u32 $0xFFFFFC00, v10;
	[tilespmem:s7+$0x180] =	vst v16;
	v17 =	vld.idx.msk [tilespmem:v1+s31+$0x0], $0xffff;
	v21 =	vor.u32 v13, v12;
	v12 =	vand.u32 $0x7F, v15  }
0x124: {  	s8 =	sadd.s32 $0x10, s5;
	v11 =	vld.idx.msk [tilespmem:v11+s31+$0x0], $0xffff;
	v10 =	vor.u32 v12, v10;
	[tilespmem:s21+$0x12400] =	vst v7  }
0x125: {  	s23 =	sor.u32 $0x200, s8;
	v7 =	vor.u32 $0x280, v0;
	v9 =	vld.idx.msk [tilespmem:v9+s31+$0x0], $0xffff  }
0x126: {  	s24 =	sor.u32 $0x200, s5;
	s0 =	simm.s32 $0x200;
	v12 =	vor.u32 $0x280, v3;
	v13 =	vld.idx.msk [tilespmem:v2+s31+$0x0], $0xffff;
	[tilespmem:s23+$0x12400] =	vst v6  }
0x127: {  	s13 =	sadd.s32 $0x20, s5;
	s30 =	sand.u32 $0x1C00, s0;
	[tilespmem:s24+$0x12400] =	vst v8;
	v8 =	vor.u32 $0x80, v1;
	v6 =	vld.idx.msk [tilespmem:v14+s31+$0x0], $0xffff  }
0x128: {  	s29 =	sor.u32 $0x200, s13;
	s6 =	sadd.s32 $0x12400, s30;
	v14 =	vor.u32 $0x300, v5;
	v15 =	vld.idx.msk [tilespmem:v21+s31+$0x0], $0xffff  }
0x129: {  	v16 =	vor.u32 $0x80, v2;
	s18 =	sor.u32 s10, s6;
	[tilespmem:s29+$0x12400] =	vst v11;
	v18 =	vld.idx.msk [tilespmem:v10+s31+$0x0], $0xffff  }
0x12a: {  	s11 =	sor.u32 $0x280, s4;
	v19 =	vor.u32 $0x80, v21;
	[tilespmem:s18+$0x0] =	vst v17;
	v7 =	vld.idx.msk [tilespmem:v7+s31+$0x0], $0xffff  }
0x12b: {  	s28 =	sor.u32 s14, s6;
	v11 =	vor.u32 $0x80, v10;
	v12 =	vld.idx.msk [tilespmem:v12+s31+$0x0], $0xffff;
	[tilespmem:s11+$0x12400] =	vst v9  }
0x12c: {  	s14 =	sor.u32 s12, s6;
	s12 =	sor.u32 $0x280, s8;
	v9 =	vor.u32 $0x300, v4;
	[tilespmem:s28+$0x0] =	vst v13;
	v8 =	vld.idx.msk [tilespmem:v8+s31+$0x0], $0xffff  }
0x12d: {  	s20 =	sor.u32 s19, s6;
	v13 =	vld.idx.msk [tilespmem:v14+s31+$0x0], $0xffff;
	v14 =	vor.u32 $0x300, v3;
	[tilespmem:s12+$0x12400] =	vst v6  }
0x12e: {  	v5 =	vor.u32 $0x380, v5;
	v16 =	vld.idx.msk [tilespmem:v16+s31+$0x0], $0xffff;
	[tilespmem:s20+$0x0] =	vst v15  }
0x12f: {  	s17 =	sor.u32 $0x280, s13;
	v17 =	vor.u32 $0x100, v2;
	v15 =	vld.idx.msk [tilespmem:v19+s31+$0x0], $0xffff;
	[tilespmem:s14+$0x0] =	vst v18  }
0x130: {  	v19 =	vor.u32 $0x100, v1;
	[tilespmem:s17+$0x12400] =	vst v12;
	v20 =	vld.idx.msk [tilespmem:v11+s31+$0x0], $0xffff  }
0x131: {  	s19 =	sor.u32 $0x300, s4;
	v6 =	vor.u32 $0x100, v21;
	v22 =	vld.idx.msk [tilespmem:v9+s31+$0x0], $0xffff;
	[tilespmem:s18+$0x80] =	vst v8  }
0x132: {  	v23 =	vor.u32 $0x100, v10;
	v14 =	vld.idx.msk [tilespmem:v14+s31+$0x0], $0xffff;
	[tilespmem:s19+$0x12400] =	vst v13  }
0x133: {  	[tilespmem:s28+$0x80] =	vst v16;
	v16 =	vor.u32 $0x300, v0;
	v24 =	vld.idx.msk [tilespmem:v5+s31+$0x0], $0xffff  }
0x134: {  	v25 =	vor.u32 $0x380, v4;
	v18 =	vld.idx.msk [tilespmem:v17+s31+$0x0], $0xffff;
	[tilespmem:s20+$0x80] =	vst v15  }
0x135: {  	s23 =	sor.u32 $0x300, s8;
	v4 =	vor.u32 $0x380, v21;
	v17 =	vld.idx.msk [tilespmem:v19+s31+$0x0], $0xffff;
	[tilespmem:s14+$0x80] =	vst v20  }
0x136: {  	s2 =	sor.u32 s2, s2;
	s7 =	simm.s32 $0x4;
	s21 =	sor.u32 $0x280, s5;
	v11 =	vor.u32 $0x200, v21;
	v8 =	vor.u32 $0x280, v21;
	v19 =	vld.idx.msk [tilespmem:v6+s31+$0x0], $0xffff;
	[tilespmem:s23+$0x12400] =	vst v22;
	v22 =	vor.u32 $0x180, v2  }
0x137: {  	s30 =	sor.u32 $0x380, s4;
	s4 =	sor.u32 $0x380, s13;
	s24 =	sor.u32 $0x300, s13;
	[tilespmem:s21+$0x12400] =	vst v7;
	v13 =	vor.u32 $0x180, v21;
	v6 =	vor.u32 $0x300, v21;
	v21 =	vor.u32 $0x180, v1;
	v20 =	vld.idx.msk [tilespmem:v23+s31+$0x0], $0xffff  }
0x138: {  	s29 =	sor.u32 s0, s16;
	v3 =	vor.u32 $0x380, v3;
	s17 =	sor.u32 $0x380, s2;
	v12 =	vor.u32 $0x180, v10;
	s21 =	sor.u32 $0x300, s5;
	v7 =	vor.u32 $0x280, v10;
	v15 =	vld.idx.msk [tilespmem:v16+s31+$0x0], $0xffff  }
0x139: {  	s2 =	simm.s32 $0x80;
	v9 =	vor.u32 $0x200, v10;
	s19 =	sor.u32 $0x380, s8;
	v5 =	vor.u32 $0x300, v10;
	v10 =	vor.u32 $0x380, v10;
	s23 =	sor.u32 $0x380, s29;
	v16 =	vld.idx.msk [tilespmem:v25+s31+$0x0], $0xffff;
	[tilespmem:s30+$0x12400] =	vst v24  }
.LBB2_5:
0x13a: {  	v23 =	vld [tilespmem:s2+$0x0];
	[tilespmem:s28+$0x100] =	vst v18;
	s16 =	sadd.s32 $0x40, s16  }
0x13b: {  	s7 =	sadd.s32 $0x4, s7;
	s29 =	sand.u32 $0x40, s16;
	[tilespmem:s18+$0x100] =	vst v17;
	v17 =	vld.idx.msk [tilespmem:v22+s31+$0x0], $0xffff  }
0x13c: {  	s5 =	sand.u32 $0x380, s16;
	p2 =	slt.u32 s7, $0x3C;
	s30 =	sor.u32 $0x30, s29;
	v18 =	vld.idx.msk [tilespmem:v21+s31+$0x0], $0xffff;
	[tilespmem:s20+$0x100] =	vst v19  }
0x13d: {  	s10 =	sor.u32 $0x10, s29;
	s8 =	sor.u32 $0x20, s29;
	v19 =	vor.u32 $0x200, v2;
	s6 =	sor.u32 s30, s5;
	v13 =	vld.idx.msk [tilespmem:v13+s31+$0x0], $0xffff;
	[tilespmem:s14+$0x100] =	vst v20  }
0x13e: {  	v21 =	vor.u32 $0x200, v1;
	s9 =	sor.u32 s10, s5;
	s5 =	sor.u32 s8, s5;
	v20 =	vld [tilespmem:s6+$0x0];
	[tilespmem:s24+$0x12400] =	vst v14  }
0x13f: {  	v14 =	vld [tilespmem:s9+$0x0];
	[tilespmem:s21+$0x12400] =	vst v15  }
0x140: {  	v15 =	vshll.u32 v23, $0x3;
	v22 =	vld [tilespmem:s5+$0x0];
	[tilespmem:s19+$0x12400] =	vst v16  }
0x141: {  	v16 =	vand.u32 $0x7F, v23;
	v15 =	vand.u32 $0xFFFFFC00, v15;
	v12 =	vld.idx.msk [tilespmem:v12+s31+$0x0], $0xffff;
	[tilespmem:s28+$0x180] =	vst v17;
	v17 =	vor.u32 $0x380, v0;
	v0 =	vmovc v1  }
0x142: {  	p0 =	por !p0, !p0;
	s5 =	simm.s32 $0x1;
	v1 =	vor.u32 v16, v15;
	[tilespmem:s18+$0x180] =	vst v18;
	v15 =	vld.idx.msk [tilespmem:v19+s31+$0x0], $0xffff  }
0x143: {  	s5 =	simm.s32 @!p0 $0x0;
	v16 =	vshll.u32 v20, $0x3;
	v18 =	vld.idx.msk [tilespmem:v21+s31+$0x0], $0xffff;
	[tilespmem:s20+$0x180] =	vst v13  }
0x144: {  	s5 =	sshll.u32 s5, $0x6;
	v13 =	vand.u32 $0x7F, v20;
	v16 =	vand.u32 $0xFFFFFC00, v16;
	v19 =	vld.idx.msk [tilespmem:v11+s31+$0x0], $0xffff;
	v11 =	vor.u32 $0x280, v2  }
0x145: {  	s11 =	sadd.s32 s5, s0;
	v20 =	vshll.u32 v14, $0x3;
	v21 =	vshll.u32 v22, $0x3;
	v16 =	vor.u32 v13, v16;
	v23 =	vld.idx.msk [tilespmem:v3+s31+$0x0], $0xffff;
	v3 =	vmovc v10  }
0x146: {  	s18 =	sadd.s32 $0x10, s11;
	s20 =	sadd.s32 $0x20, s11;
	s12 =	sadd.s32 $0x30, s11;
	v10 =	vand.u32 $0x7F, v14;
	v13 =	vand.u32 $0xFFFFFC00, v20;
	v14 =	vand.u32 $0xFFFFFC00, v21;
	v17 =	vld.idx.msk [tilespmem:v17+s31+$0x0], $0xffff  }
0x147: {  	s19 =	sor.u32 $0x200, s18;
	s5 =	sor.u32 $0x200, s12;
	v10 =	vor.u32 v10, v13;
	v13 =	vand.u32 $0x7F, v22;
	v21 =	vor.u32 $0x280, v0;
	v20 =	vld.idx.msk [tilespmem:v1+s31+$0x0], $0xffff;
	[tilespmem:s14+$0x180] =	vst v12;
	s14 =	sor.u32 $0x200, s20  }
0x148: {  	s13 =	sor.u32 $0x200, s11;
	s9 =	sor.u32 $0x280, s18;
	s6 =	sor.u32 $0x280, s20;
	v22 =	vor.u32 $0x80, v10;
	v24 =	vor.u32 $0x100, v10;
	v14 =	vor.u32 v13, v14;
	v25 =	vld.idx.msk [tilespmem:v9+s31+$0x0], $0xffff;
	[tilespmem:s5+$0x12400] =	vst v15  }
0x149: {  	s24 =	sor.u32 $0x300, s20;
	v13 =	vor.u32 $0x180, v10;
	v15 =	vor.u32 $0x80, v14;
	v26 =	vor.u32 $0x100, v14;
	s5 =	sor.u32 $0x280, s11;
	[tilespmem:s13+$0x12400] =	vst v18;
	s13 =	sor.u32 $0x300, s18;
	v18 =	vld.idx.msk [tilespmem:v11+s31+$0x0], $0xffff  }
0x14a: {  	s21 =	sor.u32 $0x300, s11;
	v12 =	vor.u32 $0x180, v14;
	v9 =	vor.u32 $0x200, v14;
	s11 =	sor.u32 $0x380, s20;
	v11 =	vor.u32 $0x200, v10;
	v27 =	vld.idx.msk [tilespmem:v16+s31+$0x0], $0xffff;
	[tilespmem:s19+$0x12400] =	vst v19;
	s19 =	sor.u32 $0x380, s18  }
0x14b: {  	v29 =	vor.u32 $0x300, v2;
	v19 =	vor.u32 $0x280, v14;
	v28 =	vld.idx.msk [tilespmem:v8+s31+$0x0], $0xffff;
	v8 =	vor.u32 $0x280, v10;
	[tilespmem:s4+$0x12400] =	vst v23;
	s4 =	smov.u32 s11  }
0x14c: {  	s0 =	sadd.s32 $0x200, s0;
	v32 =	vor.u32 $0x80, v16;
	v30 =	vor.u32 $0x300, v10;
	v31 =	vor.u32 $0x300, v14;
	v23 =	vld.idx.msk [tilespmem:v10+s31+$0x0], $0xffff;
	[tilespmem:s17+$0x12400] =	vst v17;
	s17 =	smov.u32 s23  }
0x14d: {  	v33 =	vor.u32 $0x380, v10;
	s18 =	sor.u32 s0, s16;
	s11 =	sand.u32 $0x1C00, s0;
	v17 =	vor.u32 $0x80, v1;
	v10 =	vor.u32 $0x380, v14;
	v34 =	vld.idx.msk [tilespmem:v14+s31+$0x0], $0xffff  }
0x14e: {  	s11 =	sadd.s32 $0x12400, s11;
	s23 =	sor.u32 $0x380, s18;
	v35 =	vld.idx.msk [tilespmem:v21+s31+$0x0], $0xffff;
	[tilespmem:s14+$0x12400] =	vst v25;
	s14 =	sor.u32 $0x280, s12  }
0x14f: {  	s18 =	sor.u32 s29, s11;
	s20 =	sor.u32 s10, s11;
	s28 =	sor.u32 s30, s11;
	v14 =	vld.idx.msk [tilespmem:v7+s31+$0x0], $0xffff;
	[tilespmem:s14+$0x12400] =	vst v18;
	v7 =	vmov v19  }
0x150: {  	s14 =	sor.u32 s8, s11;
	[tilespmem:s28+$0x0] =	vst v27;
	v18 =	vld.idx.msk [tilespmem:v29+s31+$0x0], $0xffff  }
0x151: {  	[tilespmem:s18+$0x0] =	vst v20;
	v19 =	vld.idx.msk [tilespmem:v32+s31+$0x0], $0xffff  }
0x152: {  	v20 =	vor.u32 $0x380, v2;
	v2 =	vmov v16;
	v17 =	vld.idx.msk [tilespmem:v17+s31+$0x0], $0xffff;
	[tilespmem:s20+$0x0] =	vst v23  }
0x153: {  	v21 =	vor.u32 $0x100, v2;
	v16 =	vld.idx.msk [tilespmem:v22+s31+$0x0], $0xffff;
	[tilespmem:s14+$0x0] =	vst v34  }
0x154: {  	v22 =	vor.u32 $0x100, v1;
	v15 =	vld.idx.msk [tilespmem:v15+s31+$0x0], $0xffff;
	[tilespmem:s9+$0x12400] =	vst v28  }
0x155: {  	v23 =	vld.idx.msk [tilespmem:v6+s31+$0x0], $0xffff;
	[tilespmem:s6+$0x12400] =	vst v14;
	s6 =	sor.u32 $0x300, s12;
	v6 =	vmov v30  }
0x156: {  	v14 =	vld.idx.msk [tilespmem:v5+s31+$0x0], $0xffff;
	[tilespmem:s6+$0x12400] =	vst v18;
	v5 =	vmov v31  }
0x157: {  	v25 =	vor.u32 $0x300, v0;
	[tilespmem:s28+$0x80] =	vst v19;
	v27 =	vld.idx.msk [tilespmem:v20+s31+$0x0], $0xffff  }
0x158: {  	[tilespmem:s18+$0x80] =	vst v17;
	v18 =	vld.idx.msk [tilespmem:v21+s31+$0x0], $0xffff  }
.Ltmp3:
0x159: {  	v17 =	vld.idx.msk [tilespmem:v22+s31+$0x0], $0xffff;
	[tilespmem:s20+$0x80] =	vst v16;
	(pc) =	sbr.rel @p2 .LBB2_5-.Ltmp3, $4  }
0x15a: {  	v22 =	vor.u32 $0x180, v2;
	v19 =	vld.idx.msk [tilespmem:v24+s31+$0x0], $0xffff;
	[tilespmem:s14+$0x80] =	vst v15  }
0x15b: {  	v21 =	vor.u32 $0x180, v1;
	v20 =	vld.idx.msk [tilespmem:v26+s31+$0x0], $0xffff;
	[tilespmem:s5+$0x12400] =	vst v35  }
0x15c: {  	s5 =	sor.u32 $0x380, s12;
	v15 =	vld.idx.msk [tilespmem:v25+s31+$0x0], $0xffff;
	[tilespmem:s13+$0x12400] =	vst v23  }
0x15d: {  	s2 =	sadd.s32 $0x40, s2;
	v16 =	vld.idx.msk [tilespmem:v4+s31+$0x0], $0xffff;
	[tilespmem:s5+$0x12400] =	vst v27;
	v4 =	vmov v33  }
0x15e: {  	_ =	sdelay $0x2  }
0x15f: {  	[tilespmem:s28+$0x100] =	vst v18  }
0x160: {  	v18 =	vld.idx.msk [tilespmem:v22+s31+$0x0], $0xffff;
	[tilespmem:s20+$0x100] =	vst v19  }
0x161: {  	v53 =	vor.u32 $0x200, v2;
	v13 =	vld.idx.msk [tilespmem:v13+s31+$0x0], $0xffff;
	_ =	sdelay $0x1  }
0x162: {  	[tilespmem:s14+$0x100] =	vst v20  }
0x163: {  	[tilespmem:s18+$0x100] =	vst v17;
	v12 =	vld.idx.msk [tilespmem:v12+s31+$0x0], $0xffff  }
0x164: {  	p0 =	por !p0, !p0;
	s2 =	simm.s32 $0x1;
	v17 =	vld.idx.msk [tilespmem:v21+s31+$0x0], $0xffff;
	[tilespmem:s28+$0x180] =	vst v18  }
0x165: {  	v54 =	vor.u32 $0x200, v1;
	s2 =	simm.s32 @!p0 $0x0;
	v18 =	vld.idx.msk [tilespmem:v53+s31+$0x0], $0xffff;
	[tilespmem:s20+$0x180] =	vst v13  }
0x166: {  	v55 =	vor.u32 $0x280, v2;
	s2 =	sshll.u32 s2, $0x6;
	v11 =	vld.idx.msk [tilespmem:v11+s31+$0x0], $0xffff  }
0x167: {  	s0 =	sadd.s32 s2, s0  }
0x168: {  	s2 =	sadd.s32 $0x30, s0;
	[tilespmem:s14+$0x180] =	vst v12  }
0x169: {  	s5 =	sadd.s32 $0x10, s0;
	s6 =	sor.u32 $0x200, s2;
	[tilespmem:s18+$0x180] =	vst v17;
	v9 =	vld.idx.msk [tilespmem:v9+s31+$0x0], $0xffff  }
0x16a: {  	s8 =	sor.u32 $0x200, s5;
	v56 =	vld.idx.msk [tilespmem:v54+s31+$0x0], $0xffff;
	[tilespmem:s6+$0x12400] =	vst v18  }
0x16b: {  	v57 =	vor.u32 $0x280, v1;
	v13 =	vld.idx.msk [tilespmem:v55+s31+$0x0], $0xffff;
	[tilespmem:s8+$0x12400] =	vst v11  }
0x16c: {  	v58 =	vor.u32 $0x300, v2;
	s7 =	sadd.s32 $0x20, s0;
	v8 =	vld.idx.msk [tilespmem:v8+s31+$0x0], $0xffff  }
0x16d: {  	[tilespmem:s24+$0x12400] =	vst v14;
	s9 =	sor.u32 $0x200, s7  }
0x16e: {  	s10 =	sor.u32 $0x200, s0;
	[tilespmem:s9+$0x12400] =	vst v9  }
0x16f: {  	v0 =	vor.u32 $0x380, v0;
	s11 =	sor.u32 $0x280, s2;
	[tilespmem:s10+$0x12400] =	vst v56;
	v7 =	vld.idx.msk [tilespmem:v7+s31+$0x0], $0xffff  }
0x170: {  	s12 =	sor.u32 $0x280, s5;
	v59 =	vld.idx.msk [tilespmem:v57+s31+$0x0], $0xffff;
	[tilespmem:s11+$0x12400] =	vst v13  }
0x171: {  	v60 =	vor.u32 $0x300, v1;
	v11 =	vld.idx.msk [tilespmem:v58+s31+$0x0], $0xffff;
	[tilespmem:s12+$0x12400] =	vst v8  }
0x172: {  	v61 =	vor.u32 $0x380, v2;
	[tilespmem:s21+$0x12400] =	vst v15;
	v6 =	vld.idx.msk [tilespmem:v6+s31+$0x0], $0xffff  }
0x173: {  	v3 =	vld.idx.msk [tilespmem:v3+s31+$0x0], $0xffff;
	[tilespmem:s19+$0x12400] =	vst v16;
	s13 =	sor.u32 $0x280, s7  }
0x174: {  	v0 =	vld.idx.msk [tilespmem:v0+s31+$0x0], $0xffff;
	s14 =	sor.u32 $0x280, s0;
	[tilespmem:s13+$0x12400] =	vst v7  }
0x175: {  	s16 =	sor.u32 $0x300, s2;
	[tilespmem:s14+$0x12400] =	vst v59;
	v5 =	vld.idx.msk [tilespmem:v5+s31+$0x0], $0xffff  }
0x176: {  	s18 =	sor.u32 $0x300, s5;
	v62 =	vld.idx.msk [tilespmem:v60+s31+$0x0], $0xffff;
	[tilespmem:s16+$0x12400] =	vst v11  }
0x177: {  	v63 =	vor.u32 $0x380, v1;
	v2 =	vld.idx.msk [tilespmem:v61+s31+$0x0], $0xffff;
	[tilespmem:s18+$0x12400] =	vst v6  }
0x178: {  	[tilespmem:s4+$0x12400] =	vst v3;
	v4 =	vld.idx.msk [tilespmem:v4+s31+$0x0], $0xffff  }
0x179: {  	s19 =	sor.u32 $0x300, s7;
	[tilespmem:s17+$0x12400] =	vst v0  }
0x17a: {  	s0 =	sor.u32 $0x300, s0;
	[tilespmem:s19+$0x12400] =	vst v5  }
0x17b: {  	s20 =	sor.u32 $0x380, s2;
	[tilespmem:s0+$0x12400] =	vst v62;
	v5 =	vld.idx.msk [tilespmem:v10+s31+$0x0], $0xffff  }
0x17c: {  	s21 =	sor.u32 $0x380, s5;
	v1 =	vld.idx.msk [tilespmem:v63+s31+$0x0], $0xffff;
	[tilespmem:s20+$0x12400] =	vst v2  }
0x17d: {  	[tilespmem:s21+$0x12400] =	vst v4  }
.Ltmp4:
0x17e: {  	s2 =	rddreg [dreg:$0x13];
	(pc) =	sbr.rel @p1 .LBB2_8-.Ltmp4, $4  }
0x17f: {  	s24 =	sor.u32 $0x380, s7;
	s2 =	sadd.s32 s2, s15  }
0x180: {  	s29 =	rddreg [dreg:$0x2];
	[tilespmem:s24+$0x12400] =	vst v5;
	s28 =	sshrl.u32 s2, $0x3  }
0x181: {  	s30 =	simm.s32 $0x12400;
	[tilespmem:s23+$0x12400] =	vst v1;
	s0 =	sadd.s32 s29, s28  }
0x182: {  	[hbm4b:s0+s3] =	stream.linear.scatter [tilespmem:s30], [sflag:$0xA], $0x2000, $0x38;
	[tilespmem:$0x14400] =	vst v63  }
0x183: {  	s0 =	rddreg [dreg:$0x14]  }
0x184: {  	s2 =	rddreg [dreg:$0x4];
	s0 =	sadd.s32 s25, s0  }
0x185: {  	s2 =	sor.u32 s2, s0  }
0x186: {  	s2 =	sshrl.u32 s2, $0x3  }
0x187: {  	s24 =	rddreg [dreg:$0x5];
	s2 =	sadd.s32 s1, s2  }
0x188: {  	[tilespmem:s31], [sflag:$0x5] =	stream.linear.gather [hbm4b:s2+s3], $0x2000, $0x38;
	[tilespmem:$0x14400] =	vst v63  }
0x189: {  	s2 =	sor.u32 s24, s0  }
0x18a: {  	s2 =	sshrl.u32 s2, $0x3  }
0x18b: {  	s4 =	simm.s32 $0xA400;
	s25 =	rddreg [dreg:$0x8];
	s2 =	sadd.s32 s1, s2  }
0x18c: {  	[tilespmem:s4], [sflag:$0x6] =	stream.linear.gather [hbm4b:s2+s3], $0x2000, $0x38;
	[tilespmem:$0x14400] =	vst v63  }
0x18d: {  	s29 =	rddreg [dreg:$0xa];
	s2 =	sor.u32 s25, s0  }
.Ltmp5:
0x18e: {  	s0 =	sor.u32 s29, s0;
	s2 =	sshrl.u32 s2, $0x3;
	(pc) =	sbr.rel .LBB2_2-.Ltmp5, $4  }
0x18f: {  	s28 =	simm.s32 $0xC400;
	s0 =	sshrl.u32 s0, $0x3;
	s2 =	sadd.s32 s1, s2  }
0x190: {  	[tilespmem:s28], [sflag:$0x7] =	stream.linear.gather [hbm4b:s2+s3], $0x2000, $0x38;
	[tilespmem:$0x14400] =	vst v63  }
0x191: {  	s30 =	simm.s32 $0xE400;
	s22 =	sadd.s32 $0x1, s22;
	s0 =	sadd.s32 s1, s0  }
0x192: {  	[tilespmem:s30], [sflag:$0x8] =	stream.linear.gather [hbm4b:s0+s3], $0x2000, $0x38;
	[tilespmem:$0x14400] =	vst v63  }
.LBB2_9:
0x193: {  	_ =	sfence.sel $0x180000  }
0x194: {  	[bflag:$0x0] =	sbarrier.arrive $0xFFFF  }
0x195: {  	_ =	strace $0x90000047  }
0x196: {  	s0 =	stileid.u32;
	[bflag:$0x2] =	sbarrier.arrive $0xFFFF  }
0x197: {  	p0 =	sne.s32 s0, $0x0;
	s0 =	rddreg [dreg:$0x3]  }
0x198: {  	s0 =	sadd.s32 @!p0 $0x100000, s0  }
0x199: {  	[sflag:s0] =	ssyncadd.tile.s32 @!p0 $0x1;
	_ =	shalt  }
.Lfunc_end2:
_tile_overlayer_lowered:
.L_overlay_start_2:
0x19a: {  	(tag) =	ssettag $0x2  }
0x19b: {  	s0 =	rddreg [dreg:$0x0];
	s2 =	stileid.u32  }
0x19c: {  	s1 =	rddreg [dreg:$0x1];
	p0 =	sne.s32 s2, $0x0  }
0x19d: {  	s3 =	rddreg [dreg:$0x2];
	[bflag:$0x3] =	sbarrier.arrive $0xFFFF;
	s2 =	simm.s32 @!p0 $0x1C0B  }
0x19e: {  	[timem:s3], [sflag:s2] =	dma.local @!p0 [hbm:s0], s1  }
0x19f: {  	s0 =	simm.s32 @!p0 $0xB  }
0x1a0: {  	_ =	swait.ge @!p0 [sflag:s0], s1  }
0x1a1: {  	s1 =	ssub.s32 @!p0 $0x0, s1;
	[sflag:s0] =	ssyncset.done @!p0 $0x0  }
0x1a2: {  	[sflag:s0] =	ssyncadd.s32 @!p0 s1  }
0x1a3: {  	[bflag:$0x3] =	sbarrier.arrive $0xFFFF  }
0x1a4: {  	_ =	shalt  }

</sc_bundles>
